<compile_context>
chip_gen: v7x
topology: tpu7x:2x2x1
jax: 0.10.2.dev20260603
libtpu: 0.0.44.dev20260713+nightly
codegen_flags: <defaults>
</compile_context>

<pallas_src>
import functools

import jax
import jax.numpy as jnp
import numpy as np
from jax import lax
from jax.experimental import pallas as pl
from jax.experimental.pallas import tpu as pltpu
from jax.experimental.pallas import tpu_sc as plsc

_B, _L = 16, 2048
_CH = 16
_SEG = _L // _CH
_IMAX = np.int32(2147483647)
_NEG_INF = np.float32(-np.inf)


def _body(start_hbm, end_hbm, out_hbm, start_v, end_v, seg_s, out_s,
          sem1, sem2):
    row = lax.axis_index("s")

    cp1 = pltpu.async_copy(start_hbm.at[row], start_v, sem1)
    cp2 = pltpu.async_copy(end_hbm.at[row], end_v, sem2)
    cp2.wait()

    lane = lax.iota(jnp.int32, _CH)
    lanebase = lane * _SEG

    def segmax(k, m):
        e = plsc.load_gather(end_v, [lanebase + k])
        return jnp.maximum(m, e)

    sm = lax.fori_loop(0, _SEG, segmax,
                       jnp.zeros((_CH,), jnp.float32) + _NEG_INF,
                       unroll=8)

    segsuf = lax.rev(plsc.cummax(lax.rev(sm, (0,))), (0,))
    seg_s[...] = segsuf
    h = plsc.load_gather(seg_s, [jnp.minimum(lane + 1, _CH - 1)])
    h = jnp.where(lane == _CH - 1, _NEG_INF, h)

    cp1.wait()

    def bwd(k, state):
        mm, bestv, besti = state
        kk = _SEG - 1 - k
        e = plsc.load_gather(end_v, [lanebase + kk])
        st = plsc.load_gather(start_v, [lanebase + kk])
        mm = jnp.maximum(mm, e)
        c = st + jnp.maximum(mm, h)
        upd = c >= bestv
        bestv = jnp.where(upd, c, bestv)
        besti = jnp.where(upd, lanebase + kk, besti)
        return mm, bestv, besti

    init = (jnp.zeros((_CH,), jnp.float32) + _NEG_INF,
            jnp.zeros((_CH,), jnp.float32) + _NEG_INF,
            jnp.zeros((_CH,), jnp.int32))
    _, bestv, besti = lax.fori_loop(0, _SEG, bwd, init, unroll=8)

    best = jnp.max(bestv)
    istar = jnp.min(jnp.where(bestv == best, besti, _IMAX))
    lstar = istar // _SEG

    wacc = jnp.zeros((_CH,), jnp.float32) + _NEG_INF
    sbase = lstar * _SEG
    for t in range(_SEG // _CH):
        base = pl.multiple_of(sbase + t * _CH, _CH)
        e = end_v[pl.ds(base, _CH)]
        idxv = lane + base
        wacc = jnp.maximum(wacc, jnp.where(idxv >= istar, e, _NEG_INF))
    wval = jnp.max(wacc)
    hval = jnp.max(jnp.where(lane == lstar, h, _NEG_INF))
    target = jnp.maximum(wval, hval)
    inseg = wval >= hval

    lnext = jnp.min(jnp.where((lane > lstar) & (sm == target), lane, _IMAX))
    lsel = jnp.where(inseg, lstar, lnext)
    jlo = jnp.where(inseg, istar, lsel * _SEG)
    jacc = jnp.zeros((_CH,), jnp.int32) + _IMAX
    jbase = lsel * _SEG
    for t in range(_SEG // _CH):
        base = pl.multiple_of(jbase + t * _CH, _CH)
        e = end_v[pl.ds(base, _CH)]
        idxv = lane + base
        m = (idxv >= jlo) & (e == target)
        jacc = jnp.minimum(jacc, jnp.where(m, idxv, _IMAX))
    jstar = jnp.min(jacc)

    zf = jnp.zeros((_CH,), jnp.float32)
    zi = jnp.zeros((_CH,), jnp.int32)
    out_s[pl.ds(0, _CH)] = zf + best
    out_s[pl.ds(_CH, _CH)] = plsc.bitcast(zi + istar, jnp.float32)
    out_s[pl.ds(2 * _CH, _CH)] = plsc.bitcast(zi + jstar, jnp.float32)
    pltpu.sync_copy(out_s, out_hbm.at[row])


_sc_call = functools.partial(
    pl.kernel,
    mesh=plsc.VectorSubcoreMesh(core_axis_name="c", subcore_axis_name="s",
                                num_cores=1),
    compiler_params=pltpu.CompilerParams(needs_layout_passes=False),
    out_type=jax.ShapeDtypeStruct((_B, 3 * _CH), jnp.float32),
    scratch_types=[
        pltpu.VMEM((_L,), jnp.float32),
        pltpu.VMEM((_L,), jnp.float32),
        pltpu.VMEM((_CH,), jnp.float32),
        pltpu.VMEM((3 * _CH,), jnp.float32),
        pltpu.SemaphoreType.DMA,
        pltpu.SemaphoreType.DMA,
    ],
)(_body)


@jax.jit
def kernel(span_start_logits, span_end_logits):
    out = _sc_call(span_start_logits, span_end_logits)
    score = out[:, 0]
    i_idx = lax.bitcast_convert_type(out[:, _CH], jnp.int32)
    j_idx = lax.bitcast_convert_type(out[:, 2 * _CH], jnp.int32)
    return score, i_idx, j_idx

# --- scband reference (transcript-rebuilt; emitter-appended) ---
"""Pipeline reference for scband-span-prediction-module-38620345925771 (READ-ONLY COPY).

The authoritative reference and input builder live on the scoring server;
editing this copy changes nothing except your own understanding.
"""

import jax, jax.numpy as jnp
import numpy as np

B, L = 16, 2048

def setup_inputs(seed: int = 0) -> dict:
    key = jax.random.key(seed)
    k1, k2 = jax.random.split(key)
    span_start_logits = jax.random.normal(k1, (B, L), dtype=jnp.float32)
    span_end_logits = jax.random.normal(k2, (B, L), dtype=jnp.float32)
    return {"span_start_logits": span_start_logits, "span_end_logits": span_end_logits}

def reference(span_start_logits, span_end_logits):
    # SpanPredictionModule.decode with has_sentinel=False, score='logprobs'
    batch_size, passage_length = span_start_logits.shape
    # Outer sum: [B, L, 1] + [B, 1, L] -> [B, L, L]
    span_log_probs = span_start_logits[:, :, None] + span_end_logits[:, None, :]
    # Upper-triangular validity mask in log space (log(0) = -inf off the triangle)
    span_log_mask = jnp.log(jnp.triu(jnp.ones((passage_length, passage_length), dtype=span_log_probs.dtype)))[None, :, :]
    valid_span_log_probs = span_log_probs + span_log_mask
    valid_span_log_probs = valid_span_log_probs.reshape(batch_size, -1)
    # score == 'logprobs' -> scores are the masked log probs directly
    valid_span_scores = valid_span_log_probs
    best_span_scores = jnp.max(valid_span_scores, axis=-1)
    best_spans = jnp.argmax(valid_span_scores, axis=-1)
    span_start_indices = best_spans // passage_length
    span_end_indices = best_spans % passage_length
    return (best_span_scores, span_start_indices, span_end_indices)

if __name__ == "__main__":
    import jax
    _d = setup_inputs()
    print(jax.jit(kernel)(*tuple(_d.values())))

</pallas_src>

<mosaic_0001>
#map = affine_map<(d0, d1) -> (0, 0)>
module attributes {stable_mosaic.version = 14 : i64} {
  func.func @_body(%arg0: i32, %arg1: i32, %arg2: memref<16x2048xf32, #tpu.memory_space<hbm>>, %arg3: memref<16x2048xf32, #tpu.memory_space<hbm>>, %arg4: memref<16x48xf32, #tpu.memory_space<hbm>>, %arg5: memref<2048xf32, #tpu.memory_space<vmem>>, %arg6: memref<2048xf32, #tpu.memory_space<vmem>>, %arg7: memref<16xf32, #tpu.memory_space<vmem>>, %arg8: memref<48xf32, #tpu.memory_space<vmem>>, %arg9: memref<!tpu.dma_semaphore, #tpu.memory_space<semaphore_mem>>, %arg10: memref<!tpu.dma_semaphore, #tpu.memory_space<semaphore_mem>>) attributes {dimension_semantics = [#tpu.dimension_semantics<core_parallel>, #tpu.dimension_semantics<subcore_parallel>], iteration_bounds = array<i64: 1, 16>, scalar_prefetch = 0 : i64, scratch_operands = 6 : i64, tpu.core_type = #tpu.core_type<sc_vector_subcore>, window_params = [{transform_indices = #map}, {transform_indices = #map}, {transform_indices = #map}]} {
    %dma_start3A = arith.constant 0 : i32
    %dma_start3A_0 = tpu.memref_slice %arg2[%arg1, %dma_start3A] : memref<16x2048xf32, #tpu.memory_space<hbm>> -> memref<1x2048xf32, #tpu.memory_space<hbm>>
    %dma_start3A_1 = tpu.memref_squeeze %dma_start3A_0 : memref<1x2048xf32, #tpu.memory_space<hbm>> -> memref<2048xf32, #tpu.memory_space<hbm>>
    %dma_start3A_2 = arith.constant 0 : i32
    %dma_start3A_3 = tpu.memref_slice %arg2[%arg1, %dma_start3A_2] : memref<16x2048xf32, #tpu.memory_space<hbm>> -> memref<1x2048xf32, #tpu.memory_space<hbm>>
    %dma_start3A_4 = tpu.memref_squeeze %dma_start3A_3 : memref<1x2048xf32, #tpu.memory_space<hbm>> -> memref<2048xf32, #tpu.memory_space<hbm>>
    tpu.enqueue_dma source(%dma_start3A_4 : memref<2048xf32, #tpu.memory_space<hbm>>) target(%arg5 : memref<2048xf32, #tpu.memory_space<vmem>>) target_semaphore(%arg9 : memref<!tpu.dma_semaphore, #tpu.memory_space<semaphore_mem>>)
    %dma_start3A_5 = arith.constant 0 : i32
    %dma_start3A_6 = tpu.memref_slice %arg3[%arg1, %dma_start3A_5] : memref<16x2048xf32, #tpu.memory_space<hbm>> -> memref<1x2048xf32, #tpu.memory_space<hbm>>
    %dma_start3A_7 = tpu.memref_squeeze %dma_start3A_6 : memref<1x2048xf32, #tpu.memory_space<hbm>> -> memref<2048xf32, #tpu.memory_space<hbm>>
    %dma_start3A_8 = arith.constant 0 : i32
    %dma_start3A_9 = tpu.memref_slice %arg3[%arg1, %dma_start3A_8] : memref<16x2048xf32, #tpu.memory_space<hbm>> -> memref<1x2048xf32, #tpu.memory_space<hbm>>
    %dma_start3A_10 = tpu.memref_squeeze %dma_start3A_9 : memref<1x2048xf32, #tpu.memory_space<hbm>> -> memref<2048xf32, #tpu.memory_space<hbm>>
    tpu.enqueue_dma source(%dma_start3A_10 : memref<2048xf32, #tpu.memory_space<hbm>>) target(%arg6 : memref<2048xf32, #tpu.memory_space<vmem>>) target_semaphore(%arg10 : memref<!tpu.dma_semaphore, #tpu.memory_space<semaphore_mem>>)
    %dma_wait3A = arith.constant 0 : i32
    %dma_wait3A_11 = tpu.memref_slice %arg3[%arg1, %dma_wait3A] : memref<16x2048xf32, #tpu.memory_space<hbm>> -> memref<1x2048xf32, #tpu.memory_space<hbm>>
    %dma_wait3A_12 = tpu.memref_squeeze %dma_wait3A_11 : memref<1x2048xf32, #tpu.memory_space<hbm>> -> memref<2048xf32, #tpu.memory_space<hbm>>
    %dma_wait3A_13 = arith.constant 0 : i32
    %dma_wait3A_14 = tpu.memref_slice %arg3[%arg1, %dma_wait3A_13] : memref<16x2048xf32, #tpu.memory_space<hbm>> -> memref<1x2048xf32, #tpu.memory_space<hbm>>
    %dma_wait3A_15 = tpu.memref_squeeze %dma_wait3A_14 : memref<1x2048xf32, #tpu.memory_space<hbm>> -> memref<2048xf32, #tpu.memory_space<hbm>>
    tpu.wait_dma2 semaphore(%arg10 : memref<!tpu.dma_semaphore, #tpu.memory_space<semaphore_mem>>) src(%dma_wait3A_15 : memref<2048xf32, #tpu.memory_space<hbm>>) dst(%arg6 : memref<2048xf32, #tpu.memory_space<vmem>>)
    %iota3A = tpu.iota {dimensions = array<i32: 0>} : vector<16xi32>
    %mul3A = arith.constant 128 : i32
    %mul3A_16 = vector.broadcast %mul3A : i32 to vector<16xi32>
    %mul3A_17 = arith.muli %iota3A, %mul3A_16 : vector<16xi32>
    %broadcast_in_dim3A = arith.constant 0.000000e+00 : f32
    %broadcast_in_dim3A_18 = vector.broadcast %broadcast_in_dim3A : f32 to vector<16xf32>
    %add3A = arith.constant 0xFF800000 : f32
    %add3A_19 = vector.broadcast %add3A : f32 to vector<16xf32>
    %add3A_20 = arith.addf %broadcast_in_dim3A_18, %add3A_19 : vector<16xf32>
    %scan3A = arith.constant 0 : i32
    %scan3A_21 = arith.constant 128 : i32
    %scan3A_22 = arith.addi %scan3A, %scan3A_21 : i32
    %scan3A_23 = arith.constant 8 : i32
    %scan3A_24 = scf.for %scan3A_404 = %scan3A to %scan3A_22 step %scan3A_23 iter_args(%scan3A_405 = %add3A_20) -> (vector<16xf32>)  : i32 {
      %add3A_406 = vector.broadcast %scan3A_404 : i32 to vector<16xi32>
      %add3A_407 = arith.addi %mul3A_17, %add3A_406 : vector<16xi32>
      %gather3A_408 = tpu.vector_load_idx %arg6[%add3A_407] : memref<2048xf32, #tpu.memory_space<vmem>>[vector<16xi32>], vector<16xf32>,
      %max3A_409 = arith.maximumf %scan3A_405, %gather3A_408 : vector<16xf32>
      %scan3A_410 = arith.constant 1 : i32
      %scan3A_411 = arith.addi %scan3A_404, %scan3A_410 : i32
      %add3A_412 = vector.broadcast %scan3A_411 : i32 to vector<16xi32>
      %add3A_413 = arith.addi %mul3A_17, %add3A_412 : vector<16xi32>
      %gather3A_414 = tpu.vector_load_idx %arg6[%add3A_413] : memref<2048xf32, #tpu.memory_space<vmem>>[vector<16xi32>], vector<16xf32>,
      %max3A_415 = arith.maximumf %max3A_409, %gather3A_414 : vector<16xf32>
      %scan3A_416 = arith.constant 2 : i32
      %scan3A_417 = arith.addi %scan3A_404, %scan3A_416 : i32
      %add3A_418 = vector.broadcast %scan3A_417 : i32 to vector<16xi32>
      %add3A_419 = arith.addi %mul3A_17, %add3A_418 : vector<16xi32>
      %gather3A_420 = tpu.vector_load_idx %arg6[%add3A_419] : memref<2048xf32, #tpu.memory_space<vmem>>[vector<16xi32>], vector<16xf32>,
      %max3A_421 = arith.maximumf %max3A_415, %gather3A_420 : vector<16xf32>
      %scan3A_422 = arith.constant 3 : i32
      %scan3A_423 = arith.addi %scan3A_404, %scan3A_422 : i32
      %add3A_424 = vector.broadcast %scan3A_423 : i32 to vector<16xi32>
      %add3A_425 = arith.addi %mul3A_17, %add3A_424 : vector<16xi32>
      %gather3A_426 = tpu.vector_load_idx %arg6[%add3A_425] : memref<2048xf32, #tpu.memory_space<vmem>>[vector<16xi32>], vector<16xf32>,
      %max3A_427 = arith.maximumf %max3A_421, %gather3A_426 : vector<16xf32>
      %scan3A_428 = arith.constant 4 : i32
      %scan3A_429 = arith.addi %scan3A_404, %scan3A_428 : i32
      %add3A_430 = vector.broadcast %scan3A_429 : i32 to vector<16xi32>
      %add3A_431 = arith.addi %mul3A_17, %add3A_430 : vector<16xi32>
      %gather3A_432 = tpu.vector_load_idx %arg6[%add3A_431] : memref<2048xf32, #tpu.memory_space<vmem>>[vector<16xi32>], vector<16xf32>,
      %max3A_433 = arith.maximumf %max3A_427, %gather3A_432 : vector<16xf32>
      %scan3A_434 = arith.constant 5 : i32
      %scan3A_435 = arith.addi %scan3A_404, %scan3A_434 : i32
      %add3A_436 = vector.broadcast %scan3A_435 : i32 to vector<16xi32>
      %add3A_437 = arith.addi %mul3A_17, %add3A_436 : vector<16xi32>
      %gather3A_438 = tpu.vector_load_idx %arg6[%add3A_437] : memref<2048xf32, #tpu.memory_space<vmem>>[vector<16xi32>], vector<16xf32>,
      %max3A_439 = arith.maximumf %max3A_433, %gather3A_438 : vector<16xf32>
      %scan3A_440 = arith.constant 6 : i32
      %scan3A_441 = arith.addi %scan3A_404, %scan3A_440 : i32
      %add3A_442 = vector.broadcast %scan3A_441 : i32 to vector<16xi32>
      %add3A_443 = arith.addi %mul3A_17, %add3A_442 : vector<16xi32>
      %gather3A_444 = tpu.vector_load_idx %arg6[%add3A_443] : memref<2048xf32, #tpu.memory_space<vmem>>[vector<16xi32>], vector<16xf32>,
      %max3A_445 = arith.maximumf %max3A_439, %gather3A_444 : vector<16xf32>
      %scan3A_446 = arith.constant 7 : i32
      %scan3A_447 = arith.addi %scan3A_404, %scan3A_446 : i32
      %add3A_448 = vector.broadcast %scan3A_447 : i32 to vector<16xi32>
      %add3A_449 = arith.addi %mul3A_17, %add3A_448 : vector<16xi32>
      %gather3A_450 = tpu.vector_load_idx %arg6[%add3A_449] : memref<2048xf32, #tpu.memory_space<vmem>>[vector<16xi32>], vector<16xf32>,
      %max3A_451 = arith.maximumf %max3A_445, %gather3A_450 : vector<16xf32>
      scf.yield %max3A_451 : vector<16xf32>
    }
    %scan3A_25 = arith.constant 128 : i32
    %rev3A = arith.constant 15 : i32
    %rev3A_26 = vector.broadcast %rev3A : i32 to vector<16xi32>
    %rev3A_27 = tpu.iota {dimensions = array<i32: 0>} : vector<16xi32>
    %rev3A_28 = arith.subi %rev3A_26, %rev3A_27 : vector<16xi32>
    %rev3A_29 = tpu.dynamic_gather %scan3A_24[%rev3A_28] in [0] : vector<16xf32>, vector<16xi32> -> vector<16xf32>
    %broadcast_in_dim3A_30 = arith.constant true
    %broadcast_in_dim3A_31 = vector.broadcast %broadcast_in_dim3A_30 : i1 to vector<16xi1>
    %masked_cummax3A = tpu.scan <max>, %rev3A_29 masked %broadcast_in_dim3A_31 : vector<16xf32>, vector<16xi1> -> vector<16xf32>
    %rev3A_32 = arith.constant 15 : i32
    %rev3A_33 = vector.broadcast %rev3A_32 : i32 to vector<16xi32>
    %rev3A_34 = tpu.iota {dimensions = array<i32: 0>} : vector<16xi32>
    %rev3A_35 = arith.subi %rev3A_33, %rev3A_34 : vector<16xi32>
    %rev3A_36 = tpu.dynamic_gather %masked_cummax3A[%rev3A_35] in [0] : vector<16xf32>, vector<16xi32> -> vector<16xf32>
    %swap3A = arith.constant 0 : index
    %swap3A_37 = tpu.vector_load %arg7[%swap3A] {strides = array<i32>} : memref<16xf32, #tpu.memory_space<vmem>>, vector<16xf32>,
    tpu.vector_store %arg7[%swap3A], %rev3A_36 {strides = array<i32>} : memref<16xf32, #tpu.memory_space<vmem>>, vector<16xf32>,
    %add3A_38 = arith.constant 1 : i32
    %add3A_39 = vector.broadcast %add3A_38 : i32 to vector<16xi32>
    %add3A_40 = arith.addi %iota3A, %add3A_39 : vector<16xi32>
    %min3A = arith.constant 15 : i32
    %min3A_41 = vector.broadcast %min3A : i32 to vector<16xi32>
    %min3A_42 = arith.minsi %add3A_40, %min3A_41 : vector<16xi32>
    %gather3A = tpu.vector_load_idx %arg7[%min3A_42] : memref<16xf32, #tpu.memory_space<vmem>>[vector<16xi32>], vector<16xf32>,
    %eq3A = arith.constant 15 : i32
    %eq3A_43 = vector.broadcast %eq3A : i32 to vector<16xi32>
    %eq3A_44 = arith.cmpi eq, %iota3A, %eq3A_43 : vector<16xi32>
    %jit3A = arith.constant 0xFF800000 : f32
    %broadcast_in_dim3A_45 = vector.broadcast %jit3A : f32 to vector<16xf32>
    %select_n3A = arith.select %eq3A_44, %broadcast_in_dim3A_45, %gather3A : vector<16xi1>, vector<16xf32>
    %dma_wait3A_46 = arith.constant 0 : i32
    %dma_wait3A_47 = tpu.memref_slice %arg2[%arg1, %dma_wait3A_46] : memref<16x2048xf32, #tpu.memory_space<hbm>> -> memref<1x2048xf32, #tpu.memory_space<hbm>>
    %dma_wait3A_48 = tpu.memref_squeeze %dma_wait3A_47 : memref<1x2048xf32, #tpu.memory_space<hbm>> -> memref<2048xf32, #tpu.memory_space<hbm>>
    %dma_wait3A_49 = arith.constant 0 : i32
    %dma_wait3A_50 = tpu.memref_slice %arg2[%arg1, %dma_wait3A_49] : memref<16x2048xf32, #tpu.memory_space<hbm>> -> memref<1x2048xf32, #tpu.memory_space<hbm>>
    %dma_wait3A_51 = tpu.memref_squeeze %dma_wait3A_50 : memref<1x2048xf32, #tpu.memory_space<hbm>> -> memref<2048xf32, #tpu.memory_space<hbm>>
    tpu.wait_dma2 semaphore(%arg9 : memref<!tpu.dma_semaphore, #tpu.memory_space<semaphore_mem>>) src(%dma_wait3A_51 : memref<2048xf32, #tpu.memory_space<hbm>>) dst(%arg5 : memref<2048xf32, #tpu.memory_space<vmem>>)
    %broadcast_in_dim3A_52 = arith.constant 0.000000e+00 : f32
    %broadcast_in_dim3A_53 = vector.broadcast %broadcast_in_dim3A_52 : f32 to vector<16xf32>
    %add3A_54 = arith.constant 0xFF800000 : f32
    %add3A_55 = vector.broadcast %add3A_54 : f32 to vector<16xf32>
    %add3A_56 = arith.addf %broadcast_in_dim3A_53, %add3A_55 : vector<16xf32>
    %broadcast_in_dim3A_57 = arith.constant 0.000000e+00 : f32
    %broadcast_in_dim3A_58 = vector.broadcast %broadcast_in_dim3A_57 : f32 to vector<16xf32>
    %add3A_59 = arith.constant 0xFF800000 : f32
    %add3A_60 = vector.broadcast %add3A_59 : f32 to vector<16xf32>
    %add3A_61 = arith.addf %broadcast_in_dim3A_58, %add3A_60 : vector<16xf32>
    %broadcast_in_dim3A_62 = arith.constant 0 : i32
    %broadcast_in_dim3A_63 = vector.broadcast %broadcast_in_dim3A_62 : i32 to vector<16xi32>
    %scan3A_64 = arith.constant 0 : i32
    %scan3A_65 = arith.constant 128 : i32
    %scan3A_66 = arith.addi %scan3A_64, %scan3A_65 : i32
    %scan3A_67 = arith.constant 8 : i32
    %scan3A_68:3 = scf.for %scan3A_404 = %scan3A_64 to %scan3A_66 step %scan3A_67 iter_args(%scan3A_405 = %add3A_56, %scan3A_406 = %add3A_61, %scan3A_407 = %broadcast_in_dim3A_63) -> (vector<16xf32>, vector<16xf32>, vector<16xi32>)  : i32 {
      %sub3A_408 = arith.constant 127 : i32
      %sub3A_409 = arith.subi %sub3A_408, %scan3A_404 : i32
      %add3A_410 = vector.broadcast %sub3A_409 : i32 to vector<16xi32>
      %add3A_411 = arith.addi %mul3A_17, %add3A_410 : vector<16xi32>
      %gather3A_412 = tpu.vector_load_idx %arg6[%add3A_411] : memref<2048xf32, #tpu.memory_space<vmem>>[vector<16xi32>], vector<16xf32>,
      %add3A_413 = vector.broadcast %sub3A_409 : i32 to vector<16xi32>
      %add3A_414 = arith.addi %mul3A_17, %add3A_413 : vector<16xi32>
      %gather3A_415 = tpu.vector_load_idx %arg5[%add3A_414] : memref<2048xf32, #tpu.memory_space<vmem>>[vector<16xi32>], vector<16xf32>,
      %max3A_416 = arith.maximumf %scan3A_405, %gather3A_412 : vector<16xf32>
      %max3A_417 = arith.maximumf %max3A_416, %select_n3A : vector<16xf32>
      %add3A_418 = arith.addf %gather3A_415, %max3A_417 : vector<16xf32>
      %ge3A_419 = arith.cmpf oge, %add3A_418, %scan3A_406 : vector<16xf32>
      %select_n3A_420 = arith.select %ge3A_419, %add3A_418, %scan3A_406 : vector<16xi1>, vector<16xf32>
      %add3A_421 = vector.broadcast %sub3A_409 : i32 to vector<16xi32>
      %add3A_422 = arith.addi %mul3A_17, %add3A_421 : vector<16xi32>
      %select_n3A_423 = arith.select %ge3A_419, %add3A_422, %scan3A_407 : vector<16xi1>, vector<16xi32>
      %scan3A_424 = arith.constant 1 : i32
      %scan3A_425 = arith.addi %scan3A_404, %scan3A_424 : i32
      %sub3A_426 = arith.constant 127 : i32
      %sub3A_427 = arith.subi %sub3A_426, %scan3A_425 : i32
      %add3A_428 = vector.broadcast %sub3A_427 : i32 to vector<16xi32>
      %add3A_429 = arith.addi %mul3A_17, %add3A_428 : vector<16xi32>
      %gather3A_430 = tpu.vector_load_idx %arg6[%add3A_429] : memref<2048xf32, #tpu.memory_space<vmem>>[vector<16xi32>], vector<16xf32>,
      %add3A_431 = vector.broadcast %sub3A_427 : i32 to vector<16xi32>
      %add3A_432 = arith.addi %mul3A_17, %add3A_431 : vector<16xi32>
      %gather3A_433 = tpu.vector_load_idx %arg5[%add3A_432] : memref<2048xf32, #tpu.memory_space<vmem>>[vector<16xi32>], vector<16xf32>,
      %max3A_434 = arith.maximumf %max3A_416, %gather3A_430 : vector<16xf32>
      %max3A_435 = arith.maximumf %max3A_434, %select_n3A : vector<16xf32>
      %add3A_436 = arith.addf %gather3A_433, %max3A_435 : vector<16xf32>
      %ge3A_437 = arith.cmpf oge, %add3A_436, %select_n3A_420 : vector<16xf32>
      %select_n3A_438 = arith.select %ge3A_437, %add3A_436, %select_n3A_420 : vector<16xi1>, vector<16xf32>
      %add3A_439 = vector.broadcast %sub3A_427 : i32 to vector<16xi32>
      %add3A_440 = arith.addi %mul3A_17, %add3A_439 : vector<16xi32>
      %select_n3A_441 = arith.select %ge3A_437, %add3A_440, %select_n3A_423 : vector<16xi1>, vector<16xi32>
      %scan3A_442 = arith.constant 2 : i32
      %scan3A_443 = arith.addi %scan3A_404, %scan3A_442 : i32
      %sub3A_444 = arith.constant 127 : i32
      %sub3A_445 = arith.subi %sub3A_444, %scan3A_443 : i32
      %add3A_446 = vector.broadcast %sub3A_445 : i32 to vector<16xi32>
      %add3A_447 = arith.addi %mul3A_17, %add3A_446 : vector<16xi32>
      %gather3A_448 = tpu.vector_load_idx %arg6[%add3A_447] : memref<2048xf32, #tpu.memory_space<vmem>>[vector<16xi32>], vector<16xf32>,
      %add3A_449 = vector.broadcast %sub3A_445 : i32 to vector<16xi32>
      %add3A_450 = arith.addi %mul3A_17, %add3A_449 : vector<16xi32>
      %gather3A_451 = tpu.vector_load_idx %arg5[%add3A_450] : memref<2048xf32, #tpu.memory_space<vmem>>[vector<16xi32>], vector<16xf32>,
      %max3A_452 = arith.maximumf %max3A_434, %gather3A_448 : vector<16xf32>
      %max3A_453 = arith.maximumf %max3A_452, %select_n3A : vector<16xf32>
      %add3A_454 = arith.addf %gather3A_451, %max3A_453 : vector<16xf32>
      %ge3A_455 = arith.cmpf oge, %add3A_454, %select_n3A_438 : vector<16xf32>
      %select_n3A_456 = arith.select %ge3A_455, %add3A_454, %select_n3A_438 : vector<16xi1>, vector<16xf32>
      %add3A_457 = vector.broadcast %sub3A_445 : i32 to vector<16xi32>
      %add3A_458 = arith.addi %mul3A_17, %add3A_457 : vector<16xi32>
      %select_n3A_459 = arith.select %ge3A_455, %add3A_458, %select_n3A_441 : vector<16xi1>, vector<16xi32>
      %scan3A_460 = arith.constant 3 : i32
      %scan3A_461 = arith.addi %scan3A_404, %scan3A_460 : i32
      %sub3A_462 = arith.constant 127 : i32
      %sub3A_463 = arith.subi %sub3A_462, %scan3A_461 : i32
      %add3A_464 = vector.broadcast %sub3A_463 : i32 to vector<16xi32>
      %add3A_465 = arith.addi %mul3A_17, %add3A_464 : vector<16xi32>
      %gather3A_466 = tpu.vector_load_idx %arg6[%add3A_465] : memref<2048xf32, #tpu.memory_space<vmem>>[vector<16xi32>], vector<16xf32>,
      %add3A_467 = vector.broadcast %sub3A_463 : i32 to vector<16xi32>
      %add3A_468 = arith.addi %mul3A_17, %add3A_467 : vector<16xi32>
      %gather3A_469 = tpu.vector_load_idx %arg5[%add3A_468] : memref<2048xf32, #tpu.memory_space<vmem>>[vector<16xi32>], vector<16xf32>,
      %max3A_470 = arith.maximumf %max3A_452, %gather3A_466 : vector<16xf32>
      %max3A_471 = arith.maximumf %max3A_470, %select_n3A : vector<16xf32>
      %add3A_472 = arith.addf %gather3A_469, %max3A_471 : vector<16xf32>
      %ge3A_473 = arith.cmpf oge, %add3A_472, %select_n3A_456 : vector<16xf32>
      %select_n3A_474 = arith.select %ge3A_473, %add3A_472, %select_n3A_456 : vector<16xi1>, vector<16xf32>
      %add3A_475 = vector.broadcast %sub3A_463 : i32 to vector<16xi32>
      %add3A_476 = arith.addi %mul3A_17, %add3A_475 : vector<16xi32>
      %select_n3A_477 = arith.select %ge3A_473, %add3A_476, %select_n3A_459 : vector<16xi1>, vector<16xi32>
      %scan3A_478 = arith.constant 4 : i32
      %scan3A_479 = arith.addi %scan3A_404, %scan3A_478 : i32
      %sub3A_480 = arith.constant 127 : i32
      %sub3A_481 = arith.subi %sub3A_480, %scan3A_479 : i32
      %add3A_482 = vector.broadcast %sub3A_481 : i32 to vector<16xi32>
      %add3A_483 = arith.addi %mul3A_17, %add3A_482 : vector<16xi32>
      %gather3A_484 = tpu.vector_load_idx %arg6[%add3A_483] : memref<2048xf32, #tpu.memory_space<vmem>>[vector<16xi32>], vector<16xf32>,
      %add3A_485 = vector.broadcast %sub3A_481 : i32 to vector<16xi32>
      %add3A_486 = arith.addi %mul3A_17, %add3A_485 : vector<16xi32>
      %gather3A_487 = tpu.vector_load_idx %arg5[%add3A_486] : memref<2048xf32, #tpu.memory_space<vmem>>[vector<16xi32>], vector<16xf32>,
      %max3A_488 = arith.maximumf %max3A_470, %gather3A_484 : vector<16xf32>
      %max3A_489 = arith.maximumf %max3A_488, %select_n3A : vector<16xf32>
      %add3A_490 = arith.addf %gather3A_487, %max3A_489 : vector<16xf32>
      %ge3A_491 = arith.cmpf oge, %add3A_490, %select_n3A_474 : vector<16xf32>
      %select_n3A_492 = arith.select %ge3A_491, %add3A_490, %select_n3A_474 : vector<16xi1>, vector<16xf32>
      %add3A_493 = vector.broadcast %sub3A_481 : i32 to vector<16xi32>
      %add3A_494 = arith.addi %mul3A_17, %add3A_493 : vector<16xi32>
      %select_n3A_495 = arith.select %ge3A_491, %add3A_494, %select_n3A_477 : vector<16xi1>, vector<16xi32>
      %scan3A_496 = arith.constant 5 : i32
      %scan3A_497 = arith.addi %scan3A_404, %scan3A_496 : i32
      %sub3A_498 = arith.constant 127 : i32
      %sub3A_499 = arith.subi %sub3A_498, %scan3A_497 : i32
      %add3A_500 = vector.broadcast %sub3A_499 : i32 to vector<16xi32>
      %add3A_501 = arith.addi %mul3A_17, %add3A_500 : vector<16xi32>
      %gather3A_502 = tpu.vector_load_idx %arg6[%add3A_501] : memref<2048xf32, #tpu.memory_space<vmem>>[vector<16xi32>], vector<16xf32>,
      %add3A_503 = vector.broadcast %sub3A_499 : i32 to vector<16xi32>
      %add3A_504 = arith.addi %mul3A_17, %add3A_503 : vector<16xi32>
      %gather3A_505 = tpu.vector_load_idx %arg5[%add3A_504] : memref<2048xf32, #tpu.memory_space<vmem>>[vector<16xi32>], vector<16xf32>,
      %max3A_506 = arith.maximumf %max3A_488, %gather3A_502 : vector<16xf32>
      %max3A_507 = arith.maximumf %max3A_506, %select_n3A : vector<16xf32>
      %add3A_508 = arith.addf %gather3A_505, %max3A_507 : vector<16xf32>
      %ge3A_509 = arith.cmpf oge, %add3A_508, %select_n3A_492 : vector<16xf32>
      %select_n3A_510 = arith.select %ge3A_509, %add3A_508, %select_n3A_492 : vector<16xi1>, vector<16xf32>
      %add3A_511 = vector.broadcast %sub3A_499 : i32 to vector<16xi32>
      %add3A_512 = arith.addi %mul3A_17, %add3A_511 : vector<16xi32>
      %select_n3A_513 = arith.select %ge3A_509, %add3A_512, %select_n3A_495 : vector<16xi1>, vector<16xi32>
      %scan3A_514 = arith.constant 6 : i32
      %scan3A_515 = arith.addi %scan3A_404, %scan3A_514 : i32
      %sub3A_516 = arith.constant 127 : i32
      %sub3A_517 = arith.subi %sub3A_516, %scan3A_515 : i32
      %add3A_518 = vector.broadcast %sub3A_517 : i32 to vector<16xi32>
      %add3A_519 = arith.addi %mul3A_17, %add3A_518 : vector<16xi32>
      %gather3A_520 = tpu.vector_load_idx %arg6[%add3A_519] : memref<2048xf32, #tpu.memory_space<vmem>>[vector<16xi32>], vector<16xf32>,
      %add3A_521 = vector.broadcast %sub3A_517 : i32 to vector<16xi32>
      %add3A_522 = arith.addi %mul3A_17, %add3A_521 : vector<16xi32>
      %gather3A_523 = tpu.vector_load_idx %arg5[%add3A_522] : memref<2048xf32, #tpu.memory_space<vmem>>[vector<16xi32>], vector<16xf32>,
      %max3A_524 = arith.maximumf %max3A_506, %gather3A_520 : vector<16xf32>
      %max3A_525 = arith.maximumf %max3A_524, %select_n3A : vector<16xf32>
      %add3A_526 = arith.addf %gather3A_523, %max3A_525 : vector<16xf32>
      %ge3A_527 = arith.cmpf oge, %add3A_526, %select_n3A_510 : vector<16xf32>
      %select_n3A_528 = arith.select %ge3A_527, %add3A_526, %select_n3A_510 : vector<16xi1>, vector<16xf32>
      %add3A_529 = vector.broadcast %sub3A_517 : i32 to vector<16xi32>
      %add3A_530 = arith.addi %mul3A_17, %add3A_529 : vector<16xi32>
      %select_n3A_531 = arith.select %ge3A_527, %add3A_530, %select_n3A_513 : vector<16xi1>, vector<16xi32>
      %scan3A_532 = arith.constant 7 : i32
      %scan3A_533 = arith.addi %scan3A_404, %scan3A_532 : i32
      %sub3A_534 = arith.constant 127 : i32
      %sub3A_535 = arith.subi %sub3A_534, %scan3A_533 : i32
      %add3A_536 = vector.broadcast %sub3A_535 : i32 to vector<16xi32>
      %add3A_537 = arith.addi %mul3A_17, %add3A_536 : vector<16xi32>
      %gather3A_538 = tpu.vector_load_idx %arg6[%add3A_537] : memref<2048xf32, #tpu.memory_space<vmem>>[vector<16xi32>], vector<16xf32>,
      %add3A_539 = vector.broadcast %sub3A_535 : i32 to vector<16xi32>
      %add3A_540 = arith.addi %mul3A_17, %add3A_539 : vector<16xi32>
      %gather3A_541 = tpu.vector_load_idx %arg5[%add3A_540] : memref<2048xf32, #tpu.memory_space<vmem>>[vector<16xi32>], vector<16xf32>,
      %max3A_542 = arith.maximumf %max3A_524, %gather3A_538 : vector<16xf32>
      %max3A_543 = arith.maximumf %max3A_542, %select_n3A : vector<16xf32>
      %add3A_544 = arith.addf %gather3A_541, %max3A_543 : vector<16xf32>
      %ge3A_545 = arith.cmpf oge, %add3A_544, %select_n3A_528 : vector<16xf32>
      %select_n3A_546 = arith.select %ge3A_545, %add3A_544, %select_n3A_528 : vector<16xi1>, vector<16xf32>
      %add3A_547 = vector.broadcast %sub3A_535 : i32 to vector<16xi32>
      %add3A_548 = arith.addi %mul3A_17, %add3A_547 : vector<16xi32>
      %select_n3A_549 = arith.select %ge3A_545, %add3A_548, %select_n3A_531 : vector<16xi1>, vector<16xi32>
      scf.yield %max3A_542, %select_n3A_546, %select_n3A_549 : vector<16xf32>, vector<16xf32>, vector<16xi32>
    }
    %scan3A_69 = arith.constant 128 : i32
    %reduce_max3A = arith.constant true
    %reduce_max3A_70 = vector.broadcast %reduce_max3A : i1 to vector<16xi1>
    %reduce_max3A_71 = tpu.scan <max>, %scan3A_68#1 masked %reduce_max3A_70 : vector<16xf32>, vector<16xi1> -> vector<16xf32>
    %reduce_max3A_72 = vector.extract %reduce_max3A_71[15] : f32 from vector<16xf32>
    %eq3A_73 = vector.broadcast %reduce_max3A_72 : f32 to vector<16xf32>
    %eq3A_74 = arith.cmpf oeq, %scan3A_68#1, %eq3A_73 : vector<16xf32>
    %jit3A_75 = arith.constant 2147483647 : i32
    %broadcast_in_dim3A_76 = vector.broadcast %jit3A_75 : i32 to vector<16xi32>
    %select_n3A_77 = arith.select %eq3A_74, %scan3A_68#2, %broadcast_in_dim3A_76 : vector<16xi1>, vector<16xi32>
    %reduce_min3A = arith.constant true
    %reduce_min3A_78 = vector.broadcast %reduce_min3A : i1 to vector<16xi1>
    %reduce_min3A_79 = arith.constant -2147483648 : i32
    %reduce_min3A_80 = vector.broadcast %reduce_min3A_79 : i32 to vector<16xi32>
    %reduce_min3A_81 = arith.xori %select_n3A_77, %reduce_min3A_80 : vector<16xi32>
    %reduce_min3A_82 = tpu.scan <min>, %reduce_min3A_81 masked %reduce_min3A_78 : vector<16xi32>, vector<16xi1> -> vector<16xi32>
    %reduce_min3A_83 = arith.xori %reduce_min3A_82, %reduce_min3A_80 : vector<16xi32>
    %reduce_min3A_84 = vector.extract %reduce_min3A_83[15] : i32 from vector<16xi32>
    %jit3A_85 = arith.constant 128 : i32
    %div3A = arith.divsi %reduce_min3A_84, %jit3A_85 : i32
    %sign3A = arith.constant 0 : i32
    %sign3A_86 = arith.cmpi sgt, %reduce_min3A_84, %sign3A : i32
    %sign3A_87 = arith.extui %sign3A_86 : i1 to i32
    %sign3A_88 = arith.constant 0 : i32
    %sign3A_89 = arith.cmpi slt, %reduce_min3A_84, %sign3A_88 : i32
    %sign3A_90 = arith.extui %sign3A_89 : i1 to i32
    %sign3A_91 = arith.subi %sign3A_87, %sign3A_90 : i32
    %sign3A_92 = arith.constant 0 : i32
    %sign3A_93 = arith.cmpi sgt, %jit3A_85, %sign3A_92 : i32
    %sign3A_94 = arith.extui %sign3A_93 : i1 to i32
    %sign3A_95 = arith.constant 0 : i32
    %sign3A_96 = arith.cmpi slt, %jit3A_85, %sign3A_95 : i32
    %sign3A_97 = arith.extui %sign3A_96 : i1 to i32
    %sign3A_98 = arith.subi %sign3A_94, %sign3A_97 : i32
    %ne3A = arith.cmpi ne, %sign3A_91, %sign3A_98 : i32
    %rem3A = arith.remsi %reduce_min3A_84, %jit3A_85 : i32
    %ne3A_99 = arith.constant 0 : i32
    %ne3A_100 = arith.cmpi ne, %rem3A, %ne3A_99 : i32
    %and3A = arith.andi %ne3A, %ne3A_100 : i1
    %sub3A = arith.constant 1 : i32
    %sub3A_101 = arith.subi %div3A, %sub3A : i32
    %select_n3A_102 = arith.select %and3A, %sub3A_101, %div3A : i32
    %broadcast_in_dim3A_103 = arith.constant 0.000000e+00 : f32
    %broadcast_in_dim3A_104 = vector.broadcast %broadcast_in_dim3A_103 : f32 to vector<16xf32>
    %add3A_105 = arith.constant 0xFF800000 : f32
    %add3A_106 = vector.broadcast %add3A_105 : f32 to vector<16xf32>
    %add3A_107 = arith.addf %broadcast_in_dim3A_104, %add3A_106 : vector<16xf32>
    %mul3A_108 = arith.constant 128 : i32
    %mul3A_109 = arith.muli %select_n3A_102, %mul3A_108 : i32
    %add3A_110 = arith.constant 0 : i32
    %add3A_111 = arith.addi %mul3A_109, %add3A_110 : i32
    %multiple_of3A = tpu.assume_multiple %add3A_111, 16 : i32
    %get3A = arith.index_cast %multiple_of3A : i32 to index
    %get3A_112 = tpu.vector_load %arg6[%get3A] {strides = array<i32>} : memref<2048xf32, #tpu.memory_space<vmem>>, vector<16xf32>,
    %add3A_113 = vector.broadcast %multiple_of3A : i32 to vector<16xi32>
    %add3A_114 = arith.addi %iota3A, %add3A_113 : vector<16xi32>
    %ge3A = vector.broadcast %reduce_min3A_84 : i32 to vector<16xi32>
    %ge3A_115 = arith.cmpi sge, %add3A_114, %ge3A : vector<16xi32>
    %jit3A_116 = arith.constant 0xFF800000 : f32
    %broadcast_in_dim3A_117 = vector.broadcast %jit3A_116 : f32 to vector<16xf32>
    %select_n3A_118 = arith.select %ge3A_115, %get3A_112, %broadcast_in_dim3A_117 : vector<16xi1>, vector<16xf32>
    %max3A = arith.maximumf %add3A_107, %select_n3A_118 : vector<16xf32>
    %add3A_119 = arith.constant 16 : i32
    %add3A_120 = arith.addi %mul3A_109, %add3A_119 : i32
    %multiple_of3A_121 = tpu.assume_multiple %add3A_120, 16 : i32
    %get3A_122 = arith.index_cast %multiple_of3A_121 : i32 to index
    %get3A_123 = tpu.vector_load %arg6[%get3A_122] {strides = array<i32>} : memref<2048xf32, #tpu.memory_space<vmem>>, vector<16xf32>,
    %add3A_124 = vector.broadcast %multiple_of3A_121 : i32 to vector<16xi32>
    %add3A_125 = arith.addi %iota3A, %add3A_124 : vector<16xi32>
    %ge3A_126 = vector.broadcast %reduce_min3A_84 : i32 to vector<16xi32>
    %ge3A_127 = arith.cmpi sge, %add3A_125, %ge3A_126 : vector<16xi32>
    %jit3A_128 = arith.constant 0xFF800000 : f32
    %broadcast_in_dim3A_129 = vector.broadcast %jit3A_128 : f32 to vector<16xf32>
    %select_n3A_130 = arith.select %ge3A_127, %get3A_123, %broadcast_in_dim3A_129 : vector<16xi1>, vector<16xf32>
    %max3A_131 = arith.maximumf %max3A, %select_n3A_130 : vector<16xf32>
    %add3A_132 = arith.constant 32 : i32
    %add3A_133 = arith.addi %mul3A_109, %add3A_132 : i32
    %multiple_of3A_134 = tpu.assume_multiple %add3A_133, 16 : i32
    %get3A_135 = arith.index_cast %multiple_of3A_134 : i32 to index
    %get3A_136 = tpu.vector_load %arg6[%get3A_135] {strides = array<i32>} : memref<2048xf32, #tpu.memory_space<vmem>>, vector<16xf32>,
    %add3A_137 = vector.broadcast %multiple_of3A_134 : i32 to vector<16xi32>
    %add3A_138 = arith.addi %iota3A, %add3A_137 : vector<16xi32>
    %ge3A_139 = vector.broadcast %reduce_min3A_84 : i32 to vector<16xi32>
    %ge3A_140 = arith.cmpi sge, %add3A_138, %ge3A_139 : vector<16xi32>
    %jit3A_141 = arith.constant 0xFF800000 : f32
    %broadcast_in_dim3A_142 = vector.broadcast %jit3A_141 : f32 to vector<16xf32>
    %select_n3A_143 = arith.select %ge3A_140, %get3A_136, %broadcast_in_dim3A_142 : vector<16xi1>, vector<16xf32>
    %max3A_144 = arith.maximumf %max3A_131, %select_n3A_143 : vector<16xf32>
    %add3A_145 = arith.constant 48 : i32
    %add3A_146 = arith.addi %mul3A_109, %add3A_145 : i32
    %multiple_of3A_147 = tpu.assume_multiple %add3A_146, 16 : i32
    %get3A_148 = arith.index_cast %multiple_of3A_147 : i32 to index
    %get3A_149 = tpu.vector_load %arg6[%get3A_148] {strides = array<i32>} : memref<2048xf32, #tpu.memory_space<vmem>>, vector<16xf32>,
    %add3A_150 = vector.broadcast %multiple_of3A_147 : i32 to vector<16xi32>
    %add3A_151 = arith.addi %iota3A, %add3A_150 : vector<16xi32>
    %ge3A_152 = vector.broadcast %reduce_min3A_84 : i32 to vector<16xi32>
    %ge3A_153 = arith.cmpi sge, %add3A_151, %ge3A_152 : vector<16xi32>
    %jit3A_154 = arith.constant 0xFF800000 : f32
    %broadcast_in_dim3A_155 = vector.broadcast %jit3A_154 : f32 to vector<16xf32>
    %select_n3A_156 = arith.select %ge3A_153, %get3A_149, %broadcast_in_dim3A_155 : vector<16xi1>, vector<16xf32>
    %max3A_157 = arith.maximumf %max3A_144, %select_n3A_156 : vector<16xf32>
    %add3A_158 = arith.constant 64 : i32
    %add3A_159 = arith.addi %mul3A_109, %add3A_158 : i32
    %multiple_of3A_160 = tpu.assume_multiple %add3A_159, 16 : i32
    %get3A_161 = arith.index_cast %multiple_of3A_160 : i32 to index
    %get3A_162 = tpu.vector_load %arg6[%get3A_161] {strides = array<i32>} : memref<2048xf32, #tpu.memory_space<vmem>>, vector<16xf32>,
    %add3A_163 = vector.broadcast %multiple_of3A_160 : i32 to vector<16xi32>
    %add3A_164 = arith.addi %iota3A, %add3A_163 : vector<16xi32>
    %ge3A_165 = vector.broadcast %reduce_min3A_84 : i32 to vector<16xi32>
    %ge3A_166 = arith.cmpi sge, %add3A_164, %ge3A_165 : vector<16xi32>
    %jit3A_167 = arith.constant 0xFF800000 : f32
    %broadcast_in_dim3A_168 = vector.broadcast %jit3A_167 : f32 to vector<16xf32>
    %select_n3A_169 = arith.select %ge3A_166, %get3A_162, %broadcast_in_dim3A_168 : vector<16xi1>, vector<16xf32>
    %max3A_170 = arith.maximumf %max3A_157, %select_n3A_169 : vector<16xf32>
    %add3A_171 = arith.constant 80 : i32
    %add3A_172 = arith.addi %mul3A_109, %add3A_171 : i32
    %multiple_of3A_173 = tpu.assume_multiple %add3A_172, 16 : i32
    %get3A_174 = arith.index_cast %multiple_of3A_173 : i32 to index
    %get3A_175 = tpu.vector_load %arg6[%get3A_174] {strides = array<i32>} : memref<2048xf32, #tpu.memory_space<vmem>>, vector<16xf32>,
    %add3A_176 = vector.broadcast %multiple_of3A_173 : i32 to vector<16xi32>
    %add3A_177 = arith.addi %iota3A, %add3A_176 : vector<16xi32>
    %ge3A_178 = vector.broadcast %reduce_min3A_84 : i32 to vector<16xi32>
    %ge3A_179 = arith.cmpi sge, %add3A_177, %ge3A_178 : vector<16xi32>
    %jit3A_180 = arith.constant 0xFF800000 : f32
    %broadcast_in_dim3A_181 = vector.broadcast %jit3A_180 : f32 to vector<16xf32>
    %select_n3A_182 = arith.select %ge3A_179, %get3A_175, %broadcast_in_dim3A_181 : vector<16xi1>, vector<16xf32>
    %max3A_183 = arith.maximumf %max3A_170, %select_n3A_182 : vector<16xf32>
    %add3A_184 = arith.constant 96 : i32
    %add3A_185 = arith.addi %mul3A_109, %add3A_184 : i32
    %multiple_of3A_186 = tpu.assume_multiple %add3A_185, 16 : i32
    %get3A_187 = arith.index_cast %multiple_of3A_186 : i32 to index
    %get3A_188 = tpu.vector_load %arg6[%get3A_187] {strides = array<i32>} : memref<2048xf32, #tpu.memory_space<vmem>>, vector<16xf32>,
    %add3A_189 = vector.broadcast %multiple_of3A_186 : i32 to vector<16xi32>
    %add3A_190 = arith.addi %iota3A, %add3A_189 : vector<16xi32>
    %ge3A_191 = vector.broadcast %reduce_min3A_84 : i32 to vector<16xi32>
    %ge3A_192 = arith.cmpi sge, %add3A_190, %ge3A_191 : vector<16xi32>
    %jit3A_193 = arith.constant 0xFF800000 : f32
    %broadcast_in_dim3A_194 = vector.broadcast %jit3A_193 : f32 to vector<16xf32>
    %select_n3A_195 = arith.select %ge3A_192, %get3A_188, %broadcast_in_dim3A_194 : vector<16xi1>, vector<16xf32>
    %max3A_196 = arith.maximumf %max3A_183, %select_n3A_195 : vector<16xf32>
    %add3A_197 = arith.constant 112 : i32
    %add3A_198 = arith.addi %mul3A_109, %add3A_197 : i32
    %multiple_of3A_199 = tpu.assume_multiple %add3A_198, 16 : i32
    %get3A_200 = arith.index_cast %multiple_of3A_199 : i32 to index
    %get3A_201 = tpu.vector_load %arg6[%get3A_200] {strides = array<i32>} : memref<2048xf32, #tpu.memory_space<vmem>>, vector<16xf32>,
    %add3A_202 = vector.broadcast %multiple_of3A_199 : i32 to vector<16xi32>
    %add3A_203 = arith.addi %iota3A, %add3A_202 : vector<16xi32>
    %ge3A_204 = vector.broadcast %reduce_min3A_84 : i32 to vector<16xi32>
    %ge3A_205 = arith.cmpi sge, %add3A_203, %ge3A_204 : vector<16xi32>
    %jit3A_206 = arith.constant 0xFF800000 : f32
    %broadcast_in_dim3A_207 = vector.broadcast %jit3A_206 : f32 to vector<16xf32>
    %select_n3A_208 = arith.select %ge3A_205, %get3A_201, %broadcast_in_dim3A_207 : vector<16xi1>, vector<16xf32>
    %max3A_209 = arith.maximumf %max3A_196, %select_n3A_208 : vector<16xf32>
    %reduce_max3A_210 = arith.constant true
    %reduce_max3A_211 = vector.broadcast %reduce_max3A_210 : i1 to vector<16xi1>
    %reduce_max3A_212 = tpu.scan <max>, %max3A_209 masked %reduce_max3A_211 : vector<16xf32>, vector<16xi1> -> vector<16xf32>
    %reduce_max3A_213 = vector.extract %reduce_max3A_212[15] : f32 from vector<16xf32>
    %eq3A_214 = vector.broadcast %select_n3A_102 : i32 to vector<16xi32>
    %eq3A_215 = arith.cmpi eq, %iota3A, %eq3A_214 : vector<16xi32>
    %jit3A_216 = arith.constant 0xFF800000 : f32
    %broadcast_in_dim3A_217 = vector.broadcast %jit3A_216 : f32 to vector<16xf32>
    %select_n3A_218 = arith.select %eq3A_215, %select_n3A, %broadcast_in_dim3A_217 : vector<16xi1>, vector<16xf32>
    %reduce_max3A_219 = arith.constant true
    %reduce_max3A_220 = vector.broadcast %reduce_max3A_219 : i1 to vector<16xi1>
    %reduce_max3A_221 = tpu.scan <max>, %select_n3A_218 masked %reduce_max3A_220 : vector<16xf32>, vector<16xi1> -> vector<16xf32>
    %reduce_max3A_222 = vector.extract %reduce_max3A_221[15] : f32 from vector<16xf32>
    %max3A_223 = arith.maximumf %reduce_max3A_213, %reduce_max3A_222 : f32
    %ge3A_224 = arith.cmpf oge, %reduce_max3A_213, %reduce_max3A_222 : f32
    %gt3A = vector.broadcast %select_n3A_102 : i32 to vector<16xi32>
    %gt3A_225 = arith.cmpi sgt, %iota3A, %gt3A : vector<16xi32>
    %eq3A_226 = vector.broadcast %max3A_223 : f32 to vector<16xf32>
    %eq3A_227 = arith.cmpf oeq, %scan3A_24, %eq3A_226 : vector<16xf32>
    %and3A_228 = arith.andi %gt3A_225, %eq3A_227 : vector<16xi1>
    %jit3A_229 = arith.constant 2147483647 : i32
    %broadcast_in_dim3A_230 = vector.broadcast %jit3A_229 : i32 to vector<16xi32>
    %select_n3A_231 = arith.select %and3A_228, %iota3A, %broadcast_in_dim3A_230 : vector<16xi1>, vector<16xi32>
    %reduce_min3A_232 = arith.constant true
    %reduce_min3A_233 = vector.broadcast %reduce_min3A_232 : i1 to vector<16xi1>
    %reduce_min3A_234 = arith.constant -2147483648 : i32
    %reduce_min3A_235 = vector.broadcast %reduce_min3A_234 : i32 to vector<16xi32>
    %reduce_min3A_236 = arith.xori %select_n3A_231, %reduce_min3A_235 : vector<16xi32>
    %reduce_min3A_237 = tpu.scan <min>, %reduce_min3A_236 masked %reduce_min3A_233 : vector<16xi32>, vector<16xi1> -> vector<16xi32>
    %reduce_min3A_238 = arith.xori %reduce_min3A_237, %reduce_min3A_235 : vector<16xi32>
    %reduce_min3A_239 = vector.extract %reduce_min3A_238[15] : i32 from vector<16xi32>
    %select_n3A_240 = arith.select %ge3A_224, %select_n3A_102, %reduce_min3A_239 : i32
    %mul3A_241 = arith.constant 128 : i32
    %mul3A_242 = arith.muli %select_n3A_240, %mul3A_241 : i32
    %select_n3A_243 = arith.select %ge3A_224, %reduce_min3A_84, %mul3A_242 : i32
    %broadcast_in_dim3A_244 = arith.constant 0 : i32
    %broadcast_in_dim3A_245 = vector.broadcast %broadcast_in_dim3A_244 : i32 to vector<16xi32>
    %add3A_246 = arith.constant 2147483647 : i32
    %add3A_247 = vector.broadcast %add3A_246 : i32 to vector<16xi32>
    %add3A_248 = arith.addi %broadcast_in_dim3A_245, %add3A_247 : vector<16xi32>
    %mul3A_249 = arith.constant 128 : i32
    %mul3A_250 = arith.muli %select_n3A_240, %mul3A_249 : i32
    %add3A_251 = arith.constant 0 : i32
    %add3A_252 = arith.addi %mul3A_250, %add3A_251 : i32
    %multiple_of3A_253 = tpu.assume_multiple %add3A_252, 16 : i32
    %get3A_254 = arith.index_cast %multiple_of3A_253 : i32 to index
    %get3A_255 = tpu.vector_load %arg6[%get3A_254] {strides = array<i32>} : memref<2048xf32, #tpu.memory_space<vmem>>, vector<16xf32>,
    %add3A_256 = vector.broadcast %multiple_of3A_253 : i32 to vector<16xi32>
    %add3A_257 = arith.addi %iota3A, %add3A_256 : vector<16xi32>
    %ge3A_258 = vector.broadcast %select_n3A_243 : i32 to vector<16xi32>
    %ge3A_259 = arith.cmpi sge, %add3A_257, %ge3A_258 : vector<16xi32>
    %eq3A_260 = vector.broadcast %max3A_223 : f32 to vector<16xf32>
    %eq3A_261 = arith.cmpf oeq, %get3A_255, %eq3A_260 : vector<16xf32>
    %and3A_262 = arith.andi %ge3A_259, %eq3A_261 : vector<16xi1>
    %jit3A_263 = arith.constant 2147483647 : i32
    %broadcast_in_dim3A_264 = vector.broadcast %jit3A_263 : i32 to vector<16xi32>
    %select_n3A_265 = arith.select %and3A_262, %add3A_257, %broadcast_in_dim3A_264 : vector<16xi1>, vector<16xi32>
    %min3A_266 = arith.minsi %add3A_248, %select_n3A_265 : vector<16xi32>
    %add3A_267 = arith.constant 16 : i32
    %add3A_268 = arith.addi %mul3A_250, %add3A_267 : i32
    %multiple_of3A_269 = tpu.assume_multiple %add3A_268, 16 : i32
    %get3A_270 = arith.index_cast %multiple_of3A_269 : i32 to index
    %get3A_271 = tpu.vector_load %arg6[%get3A_270] {strides = array<i32>} : memref<2048xf32, #tpu.memory_space<vmem>>, vector<16xf32>,
    %add3A_272 = vector.broadcast %multiple_of3A_269 : i32 to vector<16xi32>
    %add3A_273 = arith.addi %iota3A, %add3A_272 : vector<16xi32>
    %ge3A_274 = vector.broadcast %select_n3A_243 : i32 to vector<16xi32>
    %ge3A_275 = arith.cmpi sge, %add3A_273, %ge3A_274 : vector<16xi32>
    %eq3A_276 = vector.broadcast %max3A_223 : f32 to vector<16xf32>
    %eq3A_277 = arith.cmpf oeq, %get3A_271, %eq3A_276 : vector<16xf32>
    %and3A_278 = arith.andi %ge3A_275, %eq3A_277 : vector<16xi1>
    %jit3A_279 = arith.constant 2147483647 : i32
    %broadcast_in_dim3A_280 = vector.broadcast %jit3A_279 : i32 to vector<16xi32>
    %select_n3A_281 = arith.select %and3A_278, %add3A_273, %broadcast_in_dim3A_280 : vector<16xi1>, vector<16xi32>
    %min3A_282 = arith.minsi %min3A_266, %select_n3A_281 : vector<16xi32>
    %add3A_283 = arith.constant 32 : i32
    %add3A_284 = arith.addi %mul3A_250, %add3A_283 : i32
    %multiple_of3A_285 = tpu.assume_multiple %add3A_284, 16 : i32
    %get3A_286 = arith.index_cast %multiple_of3A_285 : i32 to index
    %get3A_287 = tpu.vector_load %arg6[%get3A_286] {strides = array<i32>} : memref<2048xf32, #tpu.memory_space<vmem>>, vector<16xf32>,
    %add3A_288 = vector.broadcast %multiple_of3A_285 : i32 to vector<16xi32>
    %add3A_289 = arith.addi %iota3A, %add3A_288 : vector<16xi32>
    %ge3A_290 = vector.broadcast %select_n3A_243 : i32 to vector<16xi32>
    %ge3A_291 = arith.cmpi sge, %add3A_289, %ge3A_290 : vector<16xi32>
    %eq3A_292 = vector.broadcast %max3A_223 : f32 to vector<16xf32>
    %eq3A_293 = arith.cmpf oeq, %get3A_287, %eq3A_292 : vector<16xf32>
    %and3A_294 = arith.andi %ge3A_291, %eq3A_293 : vector<16xi1>
    %jit3A_295 = arith.constant 2147483647 : i32
    %broadcast_in_dim3A_296 = vector.broadcast %jit3A_295 : i32 to vector<16xi32>
    %select_n3A_297 = arith.select %and3A_294, %add3A_289, %broadcast_in_dim3A_296 : vector<16xi1>, vector<16xi32>
    %min3A_298 = arith.minsi %min3A_282, %select_n3A_297 : vector<16xi32>
    %add3A_299 = arith.constant 48 : i32
    %add3A_300 = arith.addi %mul3A_250, %add3A_299 : i32
    %multiple_of3A_301 = tpu.assume_multiple %add3A_300, 16 : i32
    %get3A_302 = arith.index_cast %multiple_of3A_301 : i32 to index
    %get3A_303 = tpu.vector_load %arg6[%get3A_302] {strides = array<i32>} : memref<2048xf32, #tpu.memory_space<vmem>>, vector<16xf32>,
    %add3A_304 = vector.broadcast %multiple_of3A_301 : i32 to vector<16xi32>
    %add3A_305 = arith.addi %iota3A, %add3A_304 : vector<16xi32>
    %ge3A_306 = vector.broadcast %select_n3A_243 : i32 to vector<16xi32>
    %ge3A_307 = arith.cmpi sge, %add3A_305, %ge3A_306 : vector<16xi32>
    %eq3A_308 = vector.broadcast %max3A_223 : f32 to vector<16xf32>
    %eq3A_309 = arith.cmpf oeq, %get3A_303, %eq3A_308 : vector<16xf32>
    %and3A_310 = arith.andi %ge3A_307, %eq3A_309 : vector<16xi1>
    %jit3A_311 = arith.constant 2147483647 : i32
    %broadcast_in_dim3A_312 = vector.broadcast %jit3A_311 : i32 to vector<16xi32>
    %select_n3A_313 = arith.select %and3A_310, %add3A_305, %broadcast_in_dim3A_312 : vector<16xi1>, vector<16xi32>
    %min3A_314 = arith.minsi %min3A_298, %select_n3A_313 : vector<16xi32>
    %add3A_315 = arith.constant 64 : i32
    %add3A_316 = arith.addi %mul3A_250, %add3A_315 : i32
    %multiple_of3A_317 = tpu.assume_multiple %add3A_316, 16 : i32
    %get3A_318 = arith.index_cast %multiple_of3A_317 : i32 to index
    %get3A_319 = tpu.vector_load %arg6[%get3A_318] {strides = array<i32>} : memref<2048xf32, #tpu.memory_space<vmem>>, vector<16xf32>,
    %add3A_320 = vector.broadcast %multiple_of3A_317 : i32 to vector<16xi32>
    %add3A_321 = arith.addi %iota3A, %add3A_320 : vector<16xi32>
    %ge3A_322 = vector.broadcast %select_n3A_243 : i32 to vector<16xi32>
    %ge3A_323 = arith.cmpi sge, %add3A_321, %ge3A_322 : vector<16xi32>
    %eq3A_324 = vector.broadcast %max3A_223 : f32 to vector<16xf32>
    %eq3A_325 = arith.cmpf oeq, %get3A_319, %eq3A_324 : vector<16xf32>
    %and3A_326 = arith.andi %ge3A_323, %eq3A_325 : vector<16xi1>
    %jit3A_327 = arith.constant 2147483647 : i32
    %broadcast_in_dim3A_328 = vector.broadcast %jit3A_327 : i32 to vector<16xi32>
    %select_n3A_329 = arith.select %and3A_326, %add3A_321, %broadcast_in_dim3A_328 : vector<16xi1>, vector<16xi32>
    %min3A_330 = arith.minsi %min3A_314, %select_n3A_329 : vector<16xi32>
    %add3A_331 = arith.constant 80 : i32
    %add3A_332 = arith.addi %mul3A_250, %add3A_331 : i32
    %multiple_of3A_333 = tpu.assume_multiple %add3A_332, 16 : i32
    %get3A_334 = arith.index_cast %multiple_of3A_333 : i32 to index
    %get3A_335 = tpu.vector_load %arg6[%get3A_334] {strides = array<i32>} : memref<2048xf32, #tpu.memory_space<vmem>>, vector<16xf32>,
    %add3A_336 = vector.broadcast %multiple_of3A_333 : i32 to vector<16xi32>
    %add3A_337 = arith.addi %iota3A, %add3A_336 : vector<16xi32>
    %ge3A_338 = vector.broadcast %select_n3A_243 : i32 to vector<16xi32>
    %ge3A_339 = arith.cmpi sge, %add3A_337, %ge3A_338 : vector<16xi32>
    %eq3A_340 = vector.broadcast %max3A_223 : f32 to vector<16xf32>
    %eq3A_341 = arith.cmpf oeq, %get3A_335, %eq3A_340 : vector<16xf32>
    %and3A_342 = arith.andi %ge3A_339, %eq3A_341 : vector<16xi1>
    %jit3A_343 = arith.constant 2147483647 : i32
    %broadcast_in_dim3A_344 = vector.broadcast %jit3A_343 : i32 to vector<16xi32>
    %select_n3A_345 = arith.select %and3A_342, %add3A_337, %broadcast_in_dim3A_344 : vector<16xi1>, vector<16xi32>
    %min3A_346 = arith.minsi %min3A_330, %select_n3A_345 : vector<16xi32>
    %add3A_347 = arith.constant 96 : i32
    %add3A_348 = arith.addi %mul3A_250, %add3A_347 : i32
    %multiple_of3A_349 = tpu.assume_multiple %add3A_348, 16 : i32
    %get3A_350 = arith.index_cast %multiple_of3A_349 : i32 to index
    %get3A_351 = tpu.vector_load %arg6[%get3A_350] {strides = array<i32>} : memref<2048xf32, #tpu.memory_space<vmem>>, vector<16xf32>,
    %add3A_352 = vector.broadcast %multiple_of3A_349 : i32 to vector<16xi32>
    %add3A_353 = arith.addi %iota3A, %add3A_352 : vector<16xi32>
    %ge3A_354 = vector.broadcast %select_n3A_243 : i32 to vector<16xi32>
    %ge3A_355 = arith.cmpi sge, %add3A_353, %ge3A_354 : vector<16xi32>
    %eq3A_356 = vector.broadcast %max3A_223 : f32 to vector<16xf32>
    %eq3A_357 = arith.cmpf oeq, %get3A_351, %eq3A_356 : vector<16xf32>
    %and3A_358 = arith.andi %ge3A_355, %eq3A_357 : vector<16xi1>
    %jit3A_359 = arith.constant 2147483647 : i32
    %broadcast_in_dim3A_360 = vector.broadcast %jit3A_359 : i32 to vector<16xi32>
    %select_n3A_361 = arith.select %and3A_358, %add3A_353, %broadcast_in_dim3A_360 : vector<16xi1>, vector<16xi32>
    %min3A_362 = arith.minsi %min3A_346, %select_n3A_361 : vector<16xi32>
    %add3A_363 = arith.constant 112 : i32
    %add3A_364 = arith.addi %mul3A_250, %add3A_363 : i32
    %multiple_of3A_365 = tpu.assume_multiple %add3A_364, 16 : i32
    %get3A_366 = arith.index_cast %multiple_of3A_365 : i32 to index
    %get3A_367 = tpu.vector_load %arg6[%get3A_366] {strides = array<i32>} : memref<2048xf32, #tpu.memory_space<vmem>>, vector<16xf32>,
    %add3A_368 = vector.broadcast %multiple_of3A_365 : i32 to vector<16xi32>
    %add3A_369 = arith.addi %iota3A, %add3A_368 : vector<16xi32>
    %ge3A_370 = vector.broadcast %select_n3A_243 : i32 to vector<16xi32>
    %ge3A_371 = arith.cmpi sge, %add3A_369, %ge3A_370 : vector<16xi32>
    %eq3A_372 = vector.broadcast %max3A_223 : f32 to vector<16xf32>
    %eq3A_373 = arith.cmpf oeq, %get3A_367, %eq3A_372 : vector<16xf32>
    %and3A_374 = arith.andi %ge3A_371, %eq3A_373 : vector<16xi1>
    %jit3A_375 = arith.constant 2147483647 : i32
    %broadcast_in_dim3A_376 = vector.broadcast %jit3A_375 : i32 to vector<16xi32>
    %select_n3A_377 = arith.select %and3A_374, %add3A_369, %broadcast_in_dim3A_376 : vector<16xi1>, vector<16xi32>
    %min3A_378 = arith.minsi %min3A_362, %select_n3A_377 : vector<16xi32>
    %reduce_min3A_379 = arith.constant true
    %reduce_min3A_380 = vector.broadcast %reduce_min3A_379 : i1 to vector<16xi1>
    %reduce_min3A_381 = arith.constant -2147483648 : i32
    %reduce_min3A_382 = vector.broadcast %reduce_min3A_381 : i32 to vector<16xi32>
    %reduce_min3A_383 = arith.xori %min3A_378, %reduce_min3A_382 : vector<16xi32>
    %reduce_min3A_384 = tpu.scan <min>, %reduce_min3A_383 masked %reduce_min3A_380 : vector<16xi32>, vector<16xi1> -> vector<16xi32>
    %reduce_min3A_385 = arith.xori %reduce_min3A_384, %reduce_min3A_382 : vector<16xi32>
    %reduce_min3A_386 = vector.extract %reduce_min3A_385[15] : i32 from vector<16xi32>
    %broadcast_in_dim3A_387 = arith.constant 0.000000e+00 : f32
    %broadcast_in_dim3A_388 = vector.broadcast %broadcast_in_dim3A_387 : f32 to vector<16xf32>
    %broadcast_in_dim3A_389 = arith.constant 0 : i32
    %broadcast_in_dim3A_390 = vector.broadcast %broadcast_in_dim3A_389 : i32 to vector<16xi32>
    %add3A_391 = vector.broadcast %reduce_max3A_72 : f32 to vector<16xf32>
    %add3A_392 = arith.addf %broadcast_in_dim3A_388, %add3A_391 : vector<16xf32>
    %swap3A_393 = arith.constant 0 : index
    %swap3A_394 = tpu.vector_load %arg8[%swap3A_393] {strides = array<i32>} : memref<48xf32, #tpu.memory_space<vmem>>, vector<16xf32>,
    tpu.vector_store %arg8[%swap3A_393], %add3A_392 {strides = array<i32>} : memref<48xf32, #tpu.memory_space<vmem>>, vector<16xf32>,
    %add3A_395 = vector.broadcast %reduce_min3A_84 : i32 to vector<16xi32>
    %add3A_396 = arith.addi %broadcast_in_dim3A_390, %add3A_395 : vector<16xi32>
    %bitcast3A = vector.bitcast %add3A_396 : vector<16xi32> to vector<16xf32>
    %swap3A_397 = arith.constant 16 : index
    %swap3A_398 = tpu.vector_load %arg8[%swap3A_397] {strides = array<i32>} : memref<48xf32, #tpu.memory_space<vmem>>, vector<16xf32>,
    tpu.vector_store %arg8[%swap3A_397], %bitcast3A {strides = array<i32>} : memref<48xf32, #tpu.memory_space<vmem>>, vector<16xf32>,
    %add3A_399 = vector.broadcast %reduce_min3A_386 : i32 to vector<16xi32>
    %add3A_400 = arith.addi %broadcast_in_dim3A_390, %add3A_399 : vector<16xi32>
    %bitcast3A_401 = vector.bitcast %add3A_400 : vector<16xi32> to vector<16xf32>
    %swap3A_402 = arith.constant 32 : index
    %swap3A_403 = tpu.vector_load %arg8[%swap3A_402] {strides = array<i32>} : memref<48xf32, #tpu.memory_space<vmem>>, vector<16xf32>,
    tpu.vector_store %arg8[%swap3A_402], %bitcast3A_401 {strides = array<i32>} : memref<48xf32, #tpu.memory_space<vmem>>, vector<16xf32>,
    "tpu.region"() ({
      %run_scoped3A = tpu.sem_alloc : memref<!tpu.dma_semaphore, #tpu.memory_space<semaphore_mem>>
      %dma_start3A_404 = arith.constant 0 : i32
      %dma_start3A_405 = tpu.memref_slice %arg4[%arg1, %dma_start3A_404] : memref<16x48xf32, #tpu.memory_space<hbm>> -> memref<1x48xf32, #tpu.memory_space<hbm>>
      %dma_start3A_406 = tpu.memref_squeeze %dma_start3A_405 : memref<1x48xf32, #tpu.memory_space<hbm>> -> memref<48xf32, #tpu.memory_space<hbm>>
      %dma_start3A_407 = arith.constant 0 : i32
      %dma_start3A_408 = tpu.memref_slice %arg4[%arg1, %dma_start3A_407] : memref<16x48xf32, #tpu.memory_space<hbm>> -> memref<1x48xf32, #tpu.memory_space<hbm>>
      %dma_start3A_409 = tpu.memref_squeeze %dma_start3A_408 : memref<1x48xf32, #tpu.memory_space<hbm>> -> memref<48xf32, #tpu.memory_space<hbm>>
      tpu.enqueue_dma source(%arg8 : memref<48xf32, #tpu.memory_space<vmem>>) target(%dma_start3A_409 : memref<48xf32, #tpu.memory_space<hbm>>) target_semaphore(%run_scoped3A : memref<!tpu.dma_semaphore, #tpu.memory_space<semaphore_mem>>)
      %dma_wait3A_410 = arith.constant 0 : i32
      %dma_wait3A_411 = tpu.memref_slice %arg4[%arg1, %dma_wait3A_410] : memref<16x48xf32, #tpu.memory_space<hbm>> -> memref<1x48xf32, #tpu.memory_space<hbm>>
      %dma_wait3A_412 = tpu.memref_squeeze %dma_wait3A_411 : memref<1x48xf32, #tpu.memory_space<hbm>> -> memref<48xf32, #tpu.memory_space<hbm>>
      %dma_wait3A_413 = arith.constant 0 : i32
      %dma_wait3A_414 = tpu.memref_slice %arg4[%arg1, %dma_wait3A_413] : memref<16x48xf32, #tpu.memory_space<hbm>> -> memref<1x48xf32, #tpu.memory_space<hbm>>
      %dma_wait3A_415 = tpu.memref_squeeze %dma_wait3A_414 : memref<1x48xf32, #tpu.memory_space<hbm>> -> memref<48xf32, #tpu.memory_space<hbm>>
      tpu.wait_dma2 semaphore(%run_scoped3A : memref<!tpu.dma_semaphore, #tpu.memory_space<semaphore_mem>>) src(%arg8 : memref<48xf32, #tpu.memory_space<vmem>>) dst(%dma_wait3A_415 : memref<48xf32, #tpu.memory_space<hbm>>)
      tpu.yield
    }) : () -> ()
    return
  }
}

</mosaic_0001>

<sc_bundles>
// kernel: kernel.3.cloned.1.call-start
scs
__scs_entry_jumppad:
0x0: {  	(pc) =	sbr.rel $0x88, $3  }
0x1: {  	(tag) =	ssettag $0x0;
	lr =	simm.s32 $0x1  }
0x2: {  	[smem:$0x3F9F] =	sst lr;
	_ =	strace $0xD0000000  }
0x3: {  	_ = 	snop  }
0x4: {  	_ = 	snop  }
0x5: {  	_ = 	snop  }
0x6: {  	_ = 	snop  }
0x7: {  	_ = 	snop  }
__scs_overlays_trampoline_lowered:
0x8: {  	[smem:$0x3FAE] =	sst s0  }
0x9: {  	[smem:$0x3FAF] =	sst s1  }
0xa: {  	[smem:$0x3FB0] =	sst s2  }
0xb: {  	[smem:$0x3FB1] =	sst s3  }
0xc: {  	[smem:$0x3FB2] =	sst s4  }
0xd: {  	[smem:$0x3FB3] =	sst s5  }
0xe: {  	[smem:$0x3FB4] =	sst s6  }
0xf: {  	[smem:$0x3FB5] =	sst s7  }
0x10: {  	[smem:$0x3FB6] =	sst s8  }
0x11: {  	[smem:$0x3FB7] =	sst s9;
	s0 =	simm.s32 @!p0 $0x0  }
0x12: {  	s1 =	sld [smem:$0x3F9D];
	s0 =	simm.s32 @p0 $0x1  }
0x13: {  	[smem:$0x3FB8] =	sst s0;
	s0 =	simm.s32 @!p1 $0x0  }
0x14: {  	s2 =	sld [smem:$0x3F9C];
	s0 =	simm.s32 @p1 $0x1  }
0x15: {  	[smem:$0x3FB9] =	sst s0;
	s0 =	simm.s32 @!p2 $0x0  }
0x16: {  	s3 =	sld [smem:$0x3FDB];
	s0 =	simm.s32 @p2 $0x1  }
0x17: {  	s4 =	simm.s32 $0x1BF5;
	[smem:$0x3FBB] =	sst s0  }
0x18: {  	s0 =	sld [smem:$0x3F9E];
	_ =	swait.ge [sflag:s4], $0x0  }
0x19: {  	s7 =	sld [smem:$0x3F9F]  }
0x1a: {  	s8 =	sadd.s32 $0xFFFFE003, lr  }
0x1b: {  	s9 =	sadd.s32 $0xFFFFFEF7, lr;
	s5 =	simm.s32 $0xFFFFFFFF;
	p2 =	slt.u32 s8, $0xFFFFF086  }
0x1c: {  	p1 =	slt.u32 s9, $0xF7A;
	s5 =	simm.s32 @!p2 $0x0  }
0x1d: {  	s5 =	simm.s32 @p1 $0x1;
	p0 =	seq.s32 s7, s2  }
0x1e: {  	s7 =	smul.u32 @!p0 $0xF7A, s2;
	p2 =	seq.s32 @!p0 s5, $0x0  }
0x1f: {  	s9 =	smul.u32 $0xF7A, s1;
	s8 =	simm.s32 @!p0 $0x1BF5;
	p2 =	por !p2, p0  }
0x20: {  	[sflag:s8] =	ssyncset.s32 @!p0 $0xFFFFF086;
	s6 =	sadd.s32 @!p0 s3, s7;
	s7 =	simm.s32 @!p0 $0x108  }
0x21: {  	s3 =	sadd.s32 s3, s9;
	s6 =	sadd.s32 @!p0 $0x88, s6;
	s7 =	simm.s32 @p2 $0x1082  }
0x22: {  	[simem:s7], [sflag:s8] =	dma.local @!p0 [hbm:s6], $0xF7A  }
0x23: {  	s9 =	sor.u32 $0xD0000000, s2;
	s6 =	simm.s32 $0x108;
	_ =	swait.ge @!p0 [sflag:s8], $0x0  }
0x24: {  	s3 =	sadd.s32 $0x88, s3;
	s6 =	simm.s32 @!p1 $0x1082;
	[sflag:s4] =	ssyncset.s32 $0xFFFFF086  }
0x25: {  	[simem:s6], [sflag:s4] =	dma.local [hbm:s3], $0xF7A  }
0x26: {  	[smem:$0x3F9F] =	sst s1;
	(tag) =	ssettag s2;
	_ =	strace s9  }
0x27: {  	s1 =	sld [smem:$0x3FAF]  }
0x28: {  	s2 =	sld [smem:$0x3FB0]  }
0x29: {  	s4 =	sld [smem:$0x3FB2]  }
0x2a: {  	p0 =	seq.s32 s5, $0x0;
	s5 =	sld [smem:$0x3FB3]  }
0x2b: {  	s6 =	sld [smem:$0x3FB4]  }
0x2c: {  	s7 =	sld [smem:$0x3FB5]  }
0x2d: {  	s3 =	simm.s32 $0x108;
	s8 =	sld [smem:$0x3FB6]  }
0x2e: {  	s3 =	simm.s32 @!p0 $0x1082;
	s9 =	sld [smem:$0x3FB7]  }
0x2f: {  	lr =	sadd.s32 s0, s3;
	s0 =	sld [smem:$0x3FAE]  }
0x30: {  	s3 =	sld [smem:$0x3FB1]  }
0x31: {  	[smem:$0x3FBA] =	sst s10  }
0x32: {  	s10 =	sld [smem:$0x3FB8];
	_ =	sdelay $0x3  }
0x33: {  	p0 =	seq.s32 s10, $0x1;
	s10 =	sld [smem:$0x3FBA];
	_ =	sdelay $0x3  }
0x34: {  	[smem:$0x3FBA] =	sst s10  }
0x35: {  	s10 =	sld [smem:$0x3FB9];
	_ =	sdelay $0x3  }
0x36: {  	p1 =	seq.s32 s10, $0x1;
	s10 =	sld [smem:$0x3FBA];
	_ =	sdelay $0x3  }
0x37: {  	[smem:$0x3FBA] =	sst s10  }
0x38: {  	s10 =	sld [smem:$0x3FBB]  }
0x39: {  	_ = 	snop;
	(pc) =	sbr.ind lr, $3  }
0x3a: {  	_ = 	snop  }
0x3b: {  	_ = 	snop  }
0x3c: {  	p2 =	seq.s32 s10, $0x1;
	s10 =	sld [smem:$0x3FBA]  }
0x3d: {  	_ =	shalt  }
0x3e: {  	_ =	shalt  }
0x3f: {  	_ =	shalt  }
0x40: {  	_ =	shalt  }
0x41: {  	_ =	shalt  }
0x42: {  	_ =	shalt  }
0x43: {  	_ =	shalt  }
0x44: {  	_ =	shalt  }
0x45: {  	_ =	shalt  }
0x46: {  	_ =	shalt  }
0x47: {  	_ =	shalt  }
0x48: {  	_ =	shalt  }
0x49: {  	_ =	shalt  }
0x4a: {  	_ =	shalt  }
0x4b: {  	_ =	shalt  }
0x4c: {  	_ =	shalt  }
0x4d: {  	_ =	shalt  }
0x4e: {  	_ =	shalt  }
0x4f: {  	_ =	shalt  }
0x50: {  	_ =	shalt  }
0x51: {  	_ =	shalt  }
0x52: {  	_ =	shalt  }
0x53: {  	_ =	shalt  }
0x54: {  	_ =	shalt  }
0x55: {  	_ =	shalt  }
0x56: {  	_ =	shalt  }
0x57: {  	_ =	shalt  }
0x58: {  	_ =	shalt  }
0x59: {  	_ =	shalt  }
0x5a: {  	_ =	shalt  }
0x5b: {  	_ =	shalt  }
0x5c: {  	_ =	shalt  }
0x5d: {  	_ =	shalt  }
0x5e: {  	_ =	shalt  }
0x5f: {  	_ =	shalt  }
0x60: {  	_ =	shalt  }
0x61: {  	_ =	shalt  }
0x62: {  	_ =	shalt  }
0x63: {  	_ =	shalt  }
0x64: {  	_ =	shalt  }
0x65: {  	_ =	shalt  }
0x66: {  	_ =	shalt  }
0x67: {  	_ =	shalt  }
0x68: {  	_ =	shalt  }
0x69: {  	_ =	shalt  }
0x6a: {  	_ =	shalt  }
0x6b: {  	_ =	shalt  }
0x6c: {  	_ =	shalt  }
0x6d: {  	_ =	shalt  }
0x6e: {  	_ =	shalt  }
0x6f: {  	_ =	shalt  }
0x70: {  	_ =	shalt  }
0x71: {  	_ =	shalt  }
0x72: {  	_ =	shalt  }
0x73: {  	_ =	shalt  }
0x74: {  	_ =	shalt  }
0x75: {  	_ =	shalt  }
0x76: {  	_ =	shalt  }
0x77: {  	_ =	shalt  }
0x78: {  	_ =	shalt  }
0x79: {  	_ =	shalt  }
0x7a: {  	_ =	shalt  }
0x7b: {  	_ =	shalt  }
0x7c: {  	_ =	shalt  }
0x7d: {  	_ =	shalt  }
0x7e: {  	_ =	shalt  }
0x7f: {  	_ =	shalt  }
0x80: {  	_ =	shalt  }
0x81: {  	_ =	shalt  }
0x82: {  	_ =	shalt  }
0x83: {  	_ =	shalt  }
0x84: {  	_ =	shalt  }
0x85: {  	_ =	shalt  }
0x86: {  	_ =	shalt  }
0x87: {  	_ =	shalt  }
.Lfunc_end0:
.L_simem_size_0:
called_computation_lowered:
.L_overlay_start_0:
0x88: {  	s0 =	sld [smem:$0x3FD9]  }
0x89: {  	s1 =	sld [smem:$0x3FFE];
	_ =	sdelay $0x3  }
0x8a: {  	s0 =	sadd.s32 s1, s0  }
0x8b: {  	[smem:$0x3FC6] =	sst s0  }
0x8c: {  	_ = 	snop  }
0x8d: {  	s0 =	sld [smem:$0x3FC9]  }
0x8e: {  	s16 =	sld [smem:$0x3FC8];
	(tm) =	ssettm $0x1  }
0x8f: {  	s2 =	sld [smem:$0x3FFB];
	_ =	sdelay $0x3  }
0x90: {  	_ =	strace s2  }
0x91: {  	s2 =	sld [smem:$0x3FFC];
	_ =	sdelay $0x3  }
0x92: {  	_ =	strace s2  }
0x93: {  	s2 =	sld [smem:$0x3FFD];
	_ =	sdelay $0x3  }
0x94: {  	_ =	strace s2  }
0x95: {  	_ =	strace $0x8FFFFFFF  }
0x96: {  	s17 =	sld [smem:$0x3FDB];
	_ =	sdelay $0x1  }
0x97: {  	s3 =	simm.s32 $_scs_section_size  }
0x98: {  	s4 =	simm.s32 $_size__tile_overlayer_lowered;
	s5 =	simm.s32 $_tile_overlayer_lowered  }
0x99: {  	s20 =	simm.s32 $0x1BFF;
	s19 =	sshll.u32 s5, $0x1;
	s2 =	sadd.s32 s3, s17  }
0x9a: {  	s6 =	simm.s32 $0x0;
	s18 =	sshll.u32 s4, $0x1;
	s4 =	sadd.s32 s19, s2  }
0x9b: {  	[timem:s6], [sflag:s20] =	dma.local [hbm:s4], s18  }
0x9c: {  	_ =	swait.ge [sflag:s20], s18  }
0x9d: {  	s3 =	ssub.s32 $0x0, s18;
	[sflag:s20] =	ssyncset.done $0x0  }
0x9e: {  	[sflag:s20] =	ssyncadd.s32 s3;
	_ =	sdelay $0x1  }
0x9f: {  	s21 =	simm.s32 $0x1B8B  }
0xa0: {  	_ =	swait.ge [sflag:s21], $0x1  }
0xa1: {  	[sflag:s21] =	ssyncset.done $0x0  }
0xa2: {  	s23 =	simm.s32 $0x1B8E;
	s22 =	sld [smem:$0x3FFE];
	[sflag:s21] =	ssyncadd.s32 $0xFFFFFFFF  }
0xa3: {  	s24 =	simm.s32 $execute0_lowered;
	[smem:$0x3FD2] =	sst s23  }
0xa4: {  	s4 =	sshll.u32 s24, $0x1;
	_ =	strace $0x80000046;
	[dreg:$0x1] =	wrdreg $0xFFFFFFFF  }
0xa5: {  	s25 =	simm.s32 $_size_execute0_lowered;
	s2 =	sadd.s32 s2, s4;
	[dreg:$0x0] =	wrdreg $0x0  }
0xa6: {  	s4 =	sshll.u32 s25, $0x1;
	[dreg:$0x2] =	wrdreg s2  }
0xa7: {  	[dreg:$0x3] =	wrdreg s4  }
0xa8: {  	[dreg:$0x4] =	wrdreg $0xC0  }
0xa9: {  	_ =	task [dreg:s6], $0x5FFFF  }
0xaa: {  	[dreg:$0x1] =	wrdreg $0xFFFFFFFF  }
0xab: {  	[dreg:$0x0] =	wrdreg $0x60  }
0xac: {  	[dreg:$0x2] =	wrdreg s0  }
0xad: {  	[dreg:$0x3] =	wrdreg s16  }
0xae: {  	[dreg:$0x4] =	wrdreg s22  }
0xaf: {  	[dreg:$0x5] =	wrdreg $0x9  }
0xb0: {  	_ =	task.clear_ibuf [dreg:s6], $0x6FFFF;
	_ =	strace $0x90000046  }
0xb1: {  	s26 =	simm.s32 $0x9;
	_ =	strace $0x80000048  }
0xb2: {  	_ =	swait.ge [sflag:s26], $0x1  }
0xb3: {  	[sflag:s26] =	ssyncadd.s32 $0xFFFFFFFF  }
0xb4: {  	_ =	strace $0x90000048  }
0xb5: {  	_ =	sfence  }
0xb6: {  	s28 =	sld [smem:$0x0];
	_ =	sdelay $0x1  }
0xb7: {  	s29 =	srdreg.scid  }
0xb8: {  	s30 =	sshll.u32 s29, $0xD;
	s31 =	sshrl.u32 s29, $0x2  }
0xb9: {  	s1 =	sand.u32 $0x1, s29;
	s2 =	sand.u32 $0x4000, s30;
	s0 =	sadd.s32 s31, s28  }
0xba: {  	s1 =	sor.u32 s2, s1;
	s0 =	sshll.u32 s0, $0x11  }
0xbb: {  	s0 =	sor.u32 s0, s1  }
0xbc: {  	s0 =	sadd.s32 $0x8F2B, s0  }
0xbd: {  	[sflag:s0] =	ssyncadd.remote.s32 $0x1  }
0xbe: {  	_ =	sfence.sel $0xFFFF  }
0xbf: {  	[dreg:$0x0] =	wrdreg $0xFFFFFFFF;
	(pc) =	sbr.abs _section_cstart, $3  }
0xc0: {  	[dreg:$0x1] =	wrdreg $0xFFFFFFFF  }
0xc1: {  	_ =	task.clear_ibuf [dreg:s6], $0x2FFFF;
	_ =	strace $0x9FFFFFFF  }
0xc2: {  	(tm) =	ssettm $0x7FFFFFFF  }
0xc3: {  	_ =	shalt  }
tec
execute0_lowered:
.L_overlay_start_1:
0x0: {  	(tag) =	ssettag $0x1  }
0x1: {  	s5 =	rddreg [dreg:$0x0]  }
0x2: {  	s6 =	rddreg [dreg:$0x1]  }
0x3: {  	s2 =	rddreg [dreg:$0x2]  }
0x4: {  	s1 =	stileid.u32;
	s0 =	rddreg [dreg:$0x3]  }
0x5: {  	s7 =	simm.s32 $0x0;
	s9 =	simm.s32 $0x80;
	s10 =	simm.s32 $0x400  }
0x6: {  	v0 =	vlaneseq.u32;
	s19 =	simm.s32 $0x5;
	s3 =	sshrl.u32 s1, $0x3;
	s4 =	sshll.u32 s1, $0x7  }
0x7: {  	s20 =	simm.s32 $0x2;
	v0 =	vmul.u32 $0x80, v0;
	s4 =	sand.u32 $0x380, s4;
	s8 =	sshll.u32 s3, $0xE  }
0x8: {  	s21 =	simm.s32 $0x1;
	s11 =	simm.s32 $0x3;
	v1 =	vmov s7;
	v2 =	vmov s19;
	v3 =	vmov s20;
	s8 =	sor.u32 s4, s8  }
0x9: {  	s22 =	simm.s32 $0x4;
	[smem:$0x7FF] =	sst s7;
	v4 =	vmov s21;
	v5 =	vmov s11;
	v1 =	vand.u32 $0x78, v1;
	s8 =	sshrl.u32 s8, $0x3  }
0xa: {  	s23 =	simm.s32 $0x2;
	v6 =	vmov s22;
	_ =	strace $0x80000047;
	v4 =	vand.u32 $0x79, v4;
	v1 =	vbroadcast v1, $0x0;
	s5 =	sadd.s32 s5, s8  }
0xb: {  	v3 =	vand.u32 $0x7A, v3;
	v5 =	vand.u32 $0x7B, v5;
	v4 =	vbroadcast v4, $0x0;
	[tilespmem:s7], [sflag:$0x1] =	stream.strided.gather [hbm4b:s5+s9], $0x800, s10, s9, $0x38;
	[tilespmem:$0x1100] =	vst v63  }
0xc: {  	s24 =	simm.s32 $0x6;
	v2 =	vand.u32 $0x7D, v2;
	s6 =	sadd.s32 s6, s8;
	v7 =	vor.u32 v0, v1;
	v1 =	vbroadcast v3, $0x0;
	s5 =	simm.s32 $0x800  }
0xd: {  	v3 =	vand.u32 $0x7C, v6;
	v6 =	vor.u32 v0, v4;
	v4 =	vbroadcast v5, $0x0;
	[tilespmem:s5], [sflag:$0x2] =	stream.strided.gather [hbm4b:s6+s9], $0x800, s10, s9, $0x38;
	[tilespmem:$0x1100] =	vst v63  }
0xe: {  	v5 =	vmov s24;
	v8 =	vor.u32 v0, v1;
	v1 =	vbroadcast v3, $0x0;
	_ =	swait.ge [sflag:s23], $0x800  }
0xf: {  	v3 =	vand.u32 $0x7E, v5;
	v10 =	vor.u32 v0, v4;
	v4 =	vbroadcast v2, $0x0;
	[sflag:s23] =	ssyncset.done $0x0  }
0x10: {  	v5 =	vbroadcast v3, $0x0;
	v17 =	vor.u32 v0, v1;
	[sflag:s23] =	ssyncadd.s32 $0xFFFFF800  }
0x11: {  	s25 =	simm.s32 $0xD;
	s26 =	simm.s32 $0xE;
	v4 =	vor.u32 v0, v4;
	v2 =	vld.idx.msk [tilespmem:v7+s5+$0x0], $0xffff  }
0x12: {  	s28 =	simm.s32 $0x7;
	s29 =	simm.s32 $0xA;
	s30 =	simm.s32 $0xB;
	v11 =	vmov s25;
	v18 =	vmov s26;
	v5 =	vor.u32 v0, v5;
	v3 =	vld.idx.msk [tilespmem:v6+s5+$0x0], $0xffff  }
0x13: {  	s12 =	simm.s32 $0xC;
	s31 =	simm.s32 $0x9;
	v12 =	vmov s29;
	v14 =	vmov s30;
	v9 =	vor.u32 s28, v0;
	s6 =	simm.s32 $0x8;
	v6 =	vld.idx.msk [tilespmem:v8+s5+$0x0], $0xffff  }
0x14: {  	v13 =	vmov s12;
	v16 =	vmov s31;
	v7 =	vmov s6;
	v8 =	vld.idx.msk [tilespmem:v10+s5+$0x0], $0xffff  }
0x15: {  	s7 =	simm.s32 $0x10;
	v1 =	vimm.f32 $-Inf;
	v15 =	vand.u32 $0x78, v7;
	v7 =	vand.u32 $0x7E, v18;
	v10 =	vld.idx.msk [tilespmem:v17+s5+$0x0], $0xffff  }
.LBB2_1:
0x16: {  	p0 =	slt.u32 s7, $0x78;
	v14 =	vand.u32 $0x7B, v14;
	v13 =	vand.u32 $0x7C, v13;
	v11 =	vand.u32 $0x7D, v11;
	v4 =	vld.idx.msk [tilespmem:v4+s5+$0x0], $0xffff  }
0x17: {  	v15 =	vbroadcast v15, $0x0;
	v16 =	vand.u32 $0x79, v16;
	v1 =	vmax.f32 v1, v2;
	v2 =	vld.idx.msk [tilespmem:v5+s5+$0x0], $0xffff  }
0x18: {  	v12 =	vand.u32 $0x7A, v12;
	v5 =	vbroadcast v16, $0x0;
	v1 =	vmax.f32 v1, v3;
	v3 =	vld.idx.msk [tilespmem:v9+s5+$0x0], $0xffff  }
0x19: {  	v12 =	vbroadcast v12, $0x0;
	v9 =	vor.u32 v0, v15;
	v1 =	vmax.f32 v1, v6  }
0x1a: {  	v6 =	vbroadcast v14, $0x0;
	v5 =	vor.u32 v0, v5;
	v1 =	vmax.f32 v1, v8  }
0x1b: {  	v8 =	vor.u32 v0, v12;
	v12 =	vbroadcast v13, $0x0;
	v1 =	vmax.f32 v1, v10  }
0x1c: {  	v10 =	vor.u32 v0, v6;
	v6 =	vbroadcast v11, $0x0;
	v1 =	vmax.f32 v1, v4  }
0x1d: {  	v7 =	vbroadcast v7, $0x0;
	v17 =	vor.u32 v0, v12;
	v1 =	vmax.f32 v1, v2  }
.Ltmp0:
0x1e: {  	v4 =	vor.u32 v0, v6;
	v1 =	vmax.f32 v1, v3;
	v2 =	vld.idx.msk [tilespmem:v9+s5+$0x0], $0xffff;
	(pc) =	sbr.rel @p0 .LBB2_1-.Ltmp0, $4  }
0x1f: {  	s8 =	sadd.s32 $0x5, s7;
	s9 =	sadd.s32 $0x6, s7;
	s6 =	sadd.s32 $0x7, s6;
	v15 =	vmov s7;
	v3 =	vld.idx.msk [tilespmem:v5+s5+$0x0], $0xffff;
	v5 =	vor.u32 v0, v7  }
0x20: {  	s10 =	sadd.s32 $0x2, s7;
	s11 =	sadd.s32 $0x3, s7;
	s12 =	sadd.s32 $0x4, s7;
	v11 =	vmov s8;
	v9 =	vor.u32 s6, v0;
	v7 =	vmov s9;
	v6 =	vld.idx.msk [tilespmem:v8+s5+$0x0], $0xffff  }
0x21: {  	v14 =	vmov s11;
	v13 =	vmov s12;
	s8 =	sadd.s32 $0x1, s7;
	v12 =	vmov s10;
	s6 =	smov.u32 s7;
	v8 =	vld.idx.msk [tilespmem:v10+s5+$0x0], $0xffff  }
0x22: {  	v15 =	vand.u32 $0x78, v15;
	v16 =	vmov s8;
	s7 =	sadd.s32 $0x8, s7;
	v7 =	vand.u32 $0x7E, v7;
	v10 =	vld.idx.msk [tilespmem:v17+s5+$0x0], $0xffff  }
0x23: {  	v15 =	vbroadcast v15, $0x0;
	v16 =	vand.u32 $0x79, v16  }
0x24: {  	v14 =	vand.u32 $0x7B, v14;
	v12 =	vand.u32 $0x7A, v12;
	v16 =	vbroadcast v16, $0x0  }
0x25: {  	v13 =	vand.u32 $0x7C, v13;
	v12 =	vbroadcast v12, $0x0;
	v15 =	vor.u32 v0, v15  }
0x26: {  	v11 =	vand.u32 $0x7D, v11;
	v14 =	vbroadcast v14, $0x0;
	v16 =	vor.u32 v0, v16  }
0x27: {  	v4 =	vld.idx.msk [tilespmem:v4+s5+$0x0], $0xffff;
	v1 =	vmax.f32 v1, v2;
	v2 =	vor.u32 v0, v12;
	v12 =	vbroadcast v13, $0x0  }
0x28: {  	v5 =	vld.idx.msk [tilespmem:v5+s5+$0x0], $0xffff;
	v1 =	vmax.f32 v1, v3;
	v11 =	vbroadcast v11, $0x0;
	v3 =	vor.u32 v0, v14  }
0x29: {  	v9 =	vld.idx.msk [tilespmem:v9+s5+$0x0], $0xffff;
	v7 =	vbroadcast v7, $0x0;
	v1 =	vmax.f32 v1, v6;
	v6 =	vor.u32 v0, v12  }
0x2a: {  	v1 =	vmax.f32 v1, v8;
	v11 =	vor.u32 v0, v11;
	v8 =	vld.idx.msk [tilespmem:v15+s5+$0x0], $0xffff  }
0x2b: {  	s6 =	sadd.s32 $0x7, s6;
	v7 =	vor.u32 v0, v7;
	v1 =	vmax.f32 v1, v10;
	v10 =	vld.idx.msk [tilespmem:v16+s5+$0x0], $0xffff  }
0x2c: {  	v1 =	vmax.f32 v1, v4;
	v0 =	vor.u32 s6, v0;
	v2 =	vld.idx.msk [tilespmem:v2+s5+$0x0], $0xffff  }
0x2d: {  	v1 =	vmax.f32 v1, v5;
	v3 =	vld.idx.msk [tilespmem:v3+s5+$0x0], $0xffff  }
0x2e: {  	v1 =	vmax.f32 v1, v9;
	v4 =	vld.idx.msk [tilespmem:v6+s5+$0x0], $0xffff  }
0x2f: {  	v5 =	vld.idx.msk [tilespmem:v11+s5+$0x0], $0xffff;
	v1 =	vmax.f32 v1, v8  }
0x30: {  	v6 =	vld.idx.msk [tilespmem:v7+s5+$0x0], $0xffff;
	v1 =	vmax.f32 v1, v10  }
0x31: {  	v0 =	vld.idx.msk [tilespmem:v0+s5+$0x0], $0xffff;
	v1 =	vmax.f32 v1, v2  }
0x32: {  	v1 =	vmax.f32 v1, v3  }
0x33: {  	v3 =	vlaneseq.u32;
	v1 =	vmax.f32 v1, v4  }
0x34: {  	v2 =	vmul.u32 $0xFFFFFFFF, v3;
	v1 =	vmax.f32 v1, v5  }
0x35: {  	v4 =	vimm.s32 $0xFFEDCBA9;
	v1 =	vmax.f32 v1, v6  }
0x36: {  	v5 =	vimm.s32 $0x87654321;
	v0 =	vmax.f32 v1, v0;
	v1 =	vadd.s32 $0xF, v2  }
0x37: {  	v4 =	vunpack.c.l.s4.s8 v4;
	v5 =	vunpack.c.l.s4.s8 v5;
	v2 =	vperm.xlane v0, v1;
	_ =	sdelay $0x1  }
0x38: {  	(xrf0) =	vmax.scan.msk.f32 $0xffff, v2;
	v2 =	vunpack.c.0.s8.s32 v4;
	v4 =	vunpack.c.0.s8.s32 v5;
	_ =	sdelay $0x1  }
0x39: {  	v2 =	vcombine.low v4, v2;
	_ =	sdelay $0x3  }
0x3a: {  	v4 =	vand.u32 $0xF, v2;
	v2, _, _ =	vpop (xrf0)  }
0x3b: {  	v1 =	vperm.xlane v2, v1;
	v2 =	vmul.u32 $0x80, v3  }
0x3c: {  	s16 =	simm.s32 $0x7F  }
0x3d: {  	s7 =	simm.s32 $0x7E;
	v6 =	vor.u32 s16, v2  }
0x3e: {  	s17 =	simm.s32 $0x1000;
	s18 =	simm.s32 $0x1;
	[tilespmem:$0x1000] =	vst v1;
	v8 =	vor.u32 s7, v2  }
0x3f: {  	s19 =	simm.s32 $0x7D;
	v1 =	vld.idx.msk [tilespmem:v4+s17+$0x0], $0xffff;
	_ =	swait.ge [sflag:s18], $0x800  }
0x40: {  	v9 =	vor.u32 s19, v2;
	[sflag:s18] =	ssyncset.done $0x0  }
0x41: {  	s20 =	simm.s32 $0x7C;
	s6 =	simm.s32 $0x800;
	[sflag:s18] =	ssyncadd.s32 $0xFFFFF800  }
0x42: {  	v10 =	vor.u32 s20, v2;
	v4 =	vld.idx.msk [tilespmem:v6+s6+$0x0], $0xffff  }
0x43: {  	s21 =	simm.s32 $0x7B;
	s5 =	simm.s32 $0x0;
	v5 =	vld.idx.msk [tilespmem:v8+s6+$0x0], $0xffff  }
0x44: {  	v11 =	vor.u32 s21, v2;
	v7 =	vld.idx.msk [tilespmem:v6+s5+$0x0], $0xffff  }
0x45: {  	v12 =	vld.idx.msk [tilespmem:v9+s6+$0x0], $0xffff  }
0x46: {  	v13 =	vld.idx.msk [tilespmem:v8+s5+$0x0], $0xffff  }
0x47: {  	v15 =	vld.idx.msk [tilespmem:v10+s6+$0x0], $0xffff  }
0x48: {  	s22 =	simm.s32 $0x7A;
	v14 =	vimm.f32 $-Inf;
	vm0 =	veq.s32 v3, $0xF;
	v19 =	vld.idx.msk [tilespmem:v9+s5+$0x0], $0xffff  }
0x49: {  	v17 =	vor.u32 s22, v2;
	v1 =	vsel vm0, $0xFF800000, v1;
	v3 =	vmax.f32 v14, v4;
	v4 =	vld.idx.msk [tilespmem:v11+s6+$0x0], $0xffff  }
0x4a: {  	s8 =	simm.s32 $0x79;
	v16 =	vimm.s32 $0x0;
	v18 =	vmax.f32 v3, v1;
	v5 =	vmax.f32 v3, v5  }
0x4b: {  	s23 =	simm.s32 $0x78;
	v21 =	vor.u32 s8, v2;
	v7 =	vadd.f32 v18, v7;
	v18 =	vmax.f32 v5, v1  }
0x4c: {  	v3 =	vor.u32 s23, v2;
	v5 =	vmax.f32 v5, v12;
	v12 =	vadd.f32 v18, v13  }
0x4d: {  	v13 =	vmax.f32 v5, v1;
	v18 =	vld.idx.msk [tilespmem:v10+s5+$0x0], $0xffff;
	v5 =	vmax.f32 v5, v15;
	vm0 =	vge.f32 v7, v14  }
0x4e: {  	s24 =	simm.s32 $0x77;
	s25 =	simm.s32 $0x76;
	v23 =	vld.idx.msk [tilespmem:v17+s6+$0x0], $0xffff;
	v20 =	vmax.f32 v5, v1;
	v13 =	vadd.f32 v13, v19;
	v22 =	vmax.f32 v5, v4  }
0x4f: {  	s26 =	simm.s32 $0x74;
	v15 =	vld.idx.msk [tilespmem:v11+s5+$0x0], $0xffff;
	v14 =	vsel vm0, v7, v14;
	v4 =	vor.u32 s24, v2;
	v5 =	vor.u32 s25, v2  }
0x50: {  	s28 =	simm.s32 $0x73;
	v19 =	vld.idx.msk [tilespmem:v21+s6+$0x0], $0xffff;
	v16 =	vsel vm0, v6, v16;
	v7 =	vor.u32 s26, v2;
	vm0 =	vge.f32 v12, v14  }
0x51: {  	s29 =	simm.s32 $0x75;
	v6 =	vor.u32 s28, v2;
	v24 =	vld.idx.msk [tilespmem:v3+s6+$0x0], $0xffff;
	v12 =	vsel vm0, v12, v14;
	v14 =	vsel vm0, v8, v16  }
0x52: {  	v16 =	vld.idx.msk [tilespmem:v17+s5+$0x0], $0xffff;
	v8 =	vor.u32 s29, v2;
	vm0 =	vge.f32 v13, v12;
	v18 =	vadd.f32 v20, v18  }
0x53: {  	v20 =	vld.idx.msk [tilespmem:v21+s5+$0x0], $0xffff;
	v12 =	vsel vm0, v13, v12;
	v9 =	vsel vm0, v9, v14;
	v13 =	vmax.f32 v22, v1  }
0x54: {  	v14 =	vld.idx.msk [tilespmem:v3+s5+$0x0], $0xffff;
	vm0 =	vge.f32 v18, v12;
	v13 =	vadd.f32 v13, v15;
	v15 =	vmax.f32 v22, v23  }
0x55: {  	v22 =	vld.idx.msk [tilespmem:v4+s6+$0x0], $0xffff;
	v12 =	vsel vm0, v18, v12;
	v9 =	vsel vm0, v10, v9;
	v10 =	vmax.f32 v15, v19  }
0x56: {  	v18 =	vld.idx.msk [tilespmem:v5+s6+$0x0], $0xffff;
	vm0 =	vge.f32 v13, v12;
	v19 =	vmax.f32 v10, v1;
	v23 =	vmax.f32 v10, v24  }
0x57: {  	v62 =	vld.idx.msk [tilespmem:v4+s5+$0x0], $0xffff;
	v10 =	vmax.f32 v15, v1;
	v13 =	vsel vm0, v13, v12;
	v15 =	vmax.f32 v23, v1  }
0x58: {  	s30 =	simm.s32 $0x70;
	s31 =	simm.s32 $0x72;
	s9 =	simm.s32 $0x71;
	v25 =	vld.idx.msk [tilespmem:v8+s6+$0x0], $0xffff;
	v11 =	vsel vm0, v11, v9;
	v16 =	vadd.f32 v10, v16;
	v26 =	vadd.f32 v19, v20  }
0x59: {  	v27 =	vld.idx.msk [tilespmem:v5+s5+$0x0], $0xffff;
	v12 =	vor.u32 s31, v2;
	v10 =	vor.u32 s9, v2;
	v9 =	vor.u32 s30, v2  }
0x5a: {  	v28 =	vld.idx.msk [tilespmem:v7+s6+$0x0], $0xffff;
	v15 =	vadd.f32 v15, v14;
	v19 =	vmax.f32 v23, v22;
	vm0 =	vge.f32 v16, v13  }
0x5b: {  	v29 =	vld.idx.msk [tilespmem:v6+s6+$0x0], $0xffff;
	v14 =	vmax.f32 v19, v1;
	v18 =	vmax.f32 v19, v18;
	v13 =	vsel vm0, v16, v13  }
0x5c: {  	v19 =	vld.idx.msk [tilespmem:v8+s5+$0x0], $0xffff;
	v11 =	vsel vm0, v17, v11;
	v20 =	vadd.f32 v14, v62;
	vm1 =	vge.f32 v26, v13  }
0x5d: {  	v14 =	vmax.f32 v18, v1;
	v18 =	vmax.f32 v18, v25;
	v23 =	vsel vm1, v26, v13;
	v13 =	vld.idx.msk [tilespmem:v6+s5+$0x0], $0xffff  }
0x5e: {  	v16 =	vadd.f32 v14, v27;
	v22 =	vmax.f32 v18, v1;
	v14 =	vld.idx.msk [tilespmem:v12+s6+$0x0], $0xffff;
	vm0 =	vge.f32 v15, v23  }
0x5f: {  	v63 =	vmax.f32 v18, v28;
	v17 =	vsel vm1, v21, v11;
	v18 =	vld.idx.msk [tilespmem:v7+s5+$0x0], $0xffff;
	v23 =	vsel vm0, v15, v23  }
0x60: {  	s7 =	simm.s32 $0x8;
	s8 =	simm.s32 $0x68;
	v21 =	vmax.f32 v63, v1;
	v11 =	vmovc v12;
	v15 =	vmax.f32 v63, v29;
	vm1 =	vge.f32 v20, v23  }
.LBB2_3:
0x61: {  	s9 =	sadd.s32 $0x7, s8;
	s10 =	sadd.s32 $0x6, s8;
	s11 =	sadd.s32 $0x5, s8;
	v20 =	vsel vm1, v20, v23;
	v19 =	vadd.f32 v22, v19;
	v25 =	vsel vm0, v3, v17;
	v17 =	vmovc v10  }
0x62: {  	s12 =	sadd.s32 $0x3, s8;
	s7 =	sadd.s32 $0x8, s7;
	v3 =	vmovc v9;
	v22 =	vor.u32 s10, v2;
	s10 =	sadd.s32 $0x4, s8;
	v23 =	vsel vm1, v4, v25;
	v4 =	vor.u32 s9, v2;
	v24 =	vld.idx.msk [tilespmem:v10+s6+$0x0], $0xffff  }
0x63: {  	v26 =	vor.u32 s12, v2;
	p0 =	slt.u32 s7, $0x78;
	vm0 =	vge.f32 v16, v20;
	v25 =	vor.u32 s10, v2;
	v27 =	vld.idx.msk [tilespmem:v9+s6+$0x0], $0xffff  }
0x64: {  	v16 =	vsel vm0, v16, v20;
	v20 =	vsel vm0, v5, v23;
	v5 =	vmov v22;
	v12 =	vld.idx.msk [tilespmem:v12+s5+$0x0], $0xffff  }
0x65: {  	v23 =	vor.u32 s11, v2;
	vm0 =	vge.f32 v19, v16;
	v18 =	vadd.f32 v21, v18;
	v10 =	vld.idx.msk [tilespmem:v10+s5+$0x0], $0xffff  }
0x66: {  	v16 =	vsel vm0, v19, v16;
	v8 =	vsel vm0, v8, v20;
	v19 =	vmax.f32 v15, v1;
	v20 =	vld.idx.msk [tilespmem:v9+s5+$0x0], $0xffff  }
0x67: {  	vm0 =	vge.f32 v18, v16;
	v9 =	vadd.f32 v19, v13;
	v13 =	vmax.f32 v15, v14;
	v21 =	vld.idx.msk [tilespmem:v4+s6+$0x0], $0xffff  }
0x68: {  	v15 =	vsel vm0, v18, v16;
	v7 =	vsel vm0, v7, v8;
	v8 =	vmax.f32 v13, v24;
	v14 =	vld.idx.msk [tilespmem:v22+s6+$0x0], $0xffff  }
0x69: {  	vm0 =	vge.f32 v9, v15;
	v18 =	vmax.f32 v8, v1;
	v8 =	vmax.f32 v8, v27;
	v16 =	vld.idx.msk [tilespmem:v4+s5+$0x0], $0xffff  }
0x6a: {  	v15 =	vsel vm0, v9, v15;
	v9 =	vmax.f32 v13, v1;
	v13 =	vmax.f32 v8, v1;
	v22 =	vld.idx.msk [tilespmem:v23+s6+$0x0], $0xffff  }
0x6b: {  	s9 =	sadd.s32 $0x2, s8;
	s10 =	sadd.s32 $0x1, s8;
	v27 =	vsel vm0, v6, v7;
	v28 =	vadd.f32 v9, v12;
	v18 =	vadd.f32 v18, v10;
	v24 =	vld.idx.msk [tilespmem:v5+s5+$0x0], $0xffff  }
0x6c: {  	v6 =	vmovc v26;
	v12 =	vor.u32 s9, v2;
	v10 =	vor.u32 s10, v2;
	v9 =	vor.u32 s8, v2;
	v7 =	vmovc v25;
	v29 =	vld.idx.msk [tilespmem:v25+s6+$0x0], $0xffff  }
0x6d: {  	v8 =	vmax.f32 v8, v21;
	vm0 =	vge.f32 v28, v15;
	v21 =	vadd.f32 v13, v20;
	v25 =	vld.idx.msk [tilespmem:v26+s6+$0x0], $0xffff  }
0x6e: {  	v13 =	vmax.f32 v8, v1;
	v30 =	vmax.f32 v8, v14;
	v14 =	vsel vm0, v28, v15;
	v19 =	vld.idx.msk [tilespmem:v23+s5+$0x0], $0xffff  }
.Ltmp1:
0x6f: {  	v20 =	vadd.f32 v13, v16;
	v15 =	vmax.f32 v30, v1;
	vm1 =	vge.f32 v18, v14;
	v13 =	vld.idx.msk [tilespmem:v26+s5+$0x0], $0xffff;
	(pc) =	sbr.rel @p0 .LBB2_3-.Ltmp1, $4  }
0x70: {  	v11 =	vsel vm0, v11, v27;
	v26 =	vmax.f32 v30, v22;
	v27 =	vsel vm1, v18, v14;
	v8 =	vmovc v23  }
0x71: {  	v16 =	vadd.f32 v15, v24;
	v22 =	vmax.f32 v26, v1;
	vm0 =	vge.f32 v21, v27;
	v14 =	vld.idx.msk [tilespmem:v12+s6+$0x0], $0xffff  }
0x72: {  	v17 =	vsel vm1, v17, v11;
	v15 =	vmax.f32 v26, v29;
	v23 =	vsel vm0, v21, v27;
	v18 =	vld.idx.msk [tilespmem:v7+s5+$0x0], $0xffff  }
0x73: {  	s8 =	sadd.s32 $0xFFFFFFF8, s8;
	v11 =	vmovc v12;
	vm1 =	vge.f32 v20, v23;
	v21 =	vmax.f32 v15, v1;
	v15 =	vmax.f32 v15, v25  }
0x74: {  	_ =	sdelay $0x2  }
0x75: {  	v2 =	vsel vm1, v20, v23  }
0x76: {  	v19 =	vadd.f32 v22, v19;
	v55 =	vld.idx.msk [tilespmem:v10+s6+$0x0], $0xffff;
	vm2 =	vge.f32 v16, v2  }
0x77: {  	v12 =	vld.idx.msk [tilespmem:v12+s5+$0x0], $0xffff;
	v2 =	vsel vm2, v16, v2  }
0x78: {  	v56 =	vld.idx.msk [tilespmem:v9+s6+$0x0], $0xffff;
	vm3 =	vge.f32 v19, v2;
	v18 =	vadd.f32 v21, v18  }
0x79: {  	v57 =	vld.idx.msk [tilespmem:v10+s5+$0x0], $0xffff;
	v58 =	vmax.f32 v15, v1;
	v2 =	vsel vm3, v19, v2  }
0x7a: {  	v13 =	vadd.f32 v58, v13;
	v14 =	vmax.f32 v15, v14;
	vm4 =	vge.f32 v18, v2  }
0x7b: {  	v59 =	vld.idx.msk [tilespmem:v9+s5+$0x0], $0xffff;
	v60 =	vmax.f32 v14, v1;
	v2 =	vsel vm4, v18, v2  }
0x7c: {  	v14 =	vmax.f32 v14, v55;
	v12 =	vadd.f32 v60, v12;
	vm5 =	vge.f32 v13, v2  }
0x7d: {  	v61 =	vmax.f32 v14, v1;
	v2 =	vsel vm5, v13, v2  }
0x7e: {  	v14 =	vmax.f32 v14, v56;
	v13 =	vadd.f32 v61, v57;
	vm6 =	vge.f32 v12, v2  }
0x7f: {  	v14 =	vmax.f32 v14, v1;
	v2 =	vsel vm6, v12, v2  }
0x80: {  	v62 =	vadd.f32 v14, v59;
	vm7 =	vge.f32 v13, v2  }
0x81: {  	v2 =	vsel vm7, v13, v2  }
0x82: {  	vm8 =	vge.f32 v62, v2  }
0x83: {  	v12 =	vsel vm8, v62, v2  }
0x84: {  	v63 =	vsel vm0, v3, v17;
	(xrf0) =	vmax.scan.msk.f32 $0xffff, v12  }
0x85: {  	v2 =	vsel vm1, v4, v63  }
0x86: {  	v2 =	vsel vm2, v5, v2  }
0x87: {  	v2 =	vsel vm3, v8, v2  }
0x88: {  	v2 =	vsel vm4, v7, v2  }
0x89: {  	v2 =	vsel vm5, v6, v2  }
0x8a: {  	v2 =	vsel vm6, v11, v2;
	v8, _, _ =	vpop (xrf0)  }
0x8b: {  	v11 =	vsel vm7, v10, v2;
	v13 =	vbroadcast v8, $0xF  }
0x8c: {  	v14 =	vsel vm8, v9, v11  }
0x8d: {  	v3 =	vxor.u32 $0x80000000, v14;
	vm5 =	veq.f32 v12, v13  }
0x8e: {  	v3 =	vnsel vm5, $0xFFFFFFFF, v3  }
0x8f: {  	(xrf0) =	vmin.scan.msk.u32 $0xffff, v3;
	_ =	sdelay $0x5  }
0x90: {  	v3, _, _ =	vpop (xrf0)  }
0x91: {  	(v2sf) =	vpush v3, $0xF;
	_ =	sdelay $0xe  }
0x92: {  	s10 =	spop (v2sf)  }
0x93: {  	s5 =	sxor.u32 $0x80000000, s10  }
0x94: {  	p1 =	sgt.s32 s10, $0xFFFFFFFF;
	s6 =	sand.u32 $0x7F, s10;
	p0 =	slt.s32 s5, $0x1  }
0x95: {  	s7 =	sshra.s32 s5, $0x1F;
	p6 =	sne.s32 s6, $0x0;
	p0 =	por p1, p0  }
0x96: {  	s11 =	sshrl.u32 s7, $0x19;
	p0 =	por !p6, !p0  }
0x97: {  	s7 =	simm.s32 $0x1;
	s6 =	sadd.s32 s11, s5;
	p0 =	por !p0, !p0  }
0x98: {  	s6 =	sshra.s32 s6, $0x7;
	s7 =	simm.s32 @!p0 $0x0  }
0x99: {  	s7 =	ssub.s32 s6, s7  }
0x9a: {  	s6 =	sshll.u32 s7, $0x9  }
0x9b: {  	s6 =	sshra.s32 s6, $0x2  }
0x9c: {  	v15 =	vld [tilespmem:s6+$0x810]  }
0x9d: {  	s8 =	sshll.u32 s7, $0x7;
	v16 =	vld [tilespmem:s6+$0x800]  }
0x9e: {  	v17 =	vlaneseq.u32;
	s9 =	sor.u32 $0x10, s8  }
0x9f: {  	v18 =	vor.u32 s9, v17;
	v19 =	vld [tilespmem:s6+$0x820]  }
0xa0: {  	vm6 =	vlt.s32 v18, s5  }
0xa1: {  	v20 =	vor.u32 s8, v17;
	v21 =	vld [tilespmem:s6+$0x830];
	v4 =	vsel vm6, $0xFF800000, v15  }
0xa2: {  	s12 =	sor.u32 $0x20, s8;
	vm7 =	vlt.s32 v20, s5;
	v5 =	vmax.f32 v16, v4  }
0xa3: {  	v22 =	vor.u32 s12, v17;
	v23 =	vld [tilespmem:s6+$0x840];
	v4 =	vsel vm7, v4, v5  }
0xa4: {  	s13 =	sor.u32 $0x30, s8;
	vm8 =	vlt.s32 v22, s5;
	v24 =	vmax.f32 v4, v19  }
0xa5: {  	v25 =	vor.u32 s13, v17;
	v26 =	vld [tilespmem:s6+$0x850];
	v4 =	vsel vm8, v4, v24  }
0xa6: {  	s14 =	sor.u32 $0x40, s8;
	vm9 =	vlt.s32 v25, s5;
	v27 =	vmax.f32 v4, v21  }
0xa7: {  	v28 =	vor.u32 s14, v17;
	v29 =	vld [tilespmem:s6+$0x860];
	v4 =	vsel vm9, v4, v27  }
0xa8: {  	s15 =	sor.u32 $0x50, s8;
	vm10 =	vlt.s32 v28, s5;
	v30 =	vmax.f32 v4, v23  }
0xa9: {  	v31 =	vor.u32 s15, v17;
	v32 =	vld [tilespmem:s6+$0x870];
	v4 =	vsel vm10, v4, v30  }
0xaa: {  	s16 =	sor.u32 $0x60, s8;
	vm11 =	vlt.s32 v31, s5;
	v33 =	vmax.f32 v4, v26  }
0xab: {  	v34 =	vor.u32 s16, v17;
	v4 =	vsel vm11, v4, v33  }
0xac: {  	s17 =	sor.u32 $0x70, s8;
	vm12 =	vlt.s32 v34, s5;
	v35 =	vmax.f32 v4, v29  }
0xad: {  	v36 =	vor.u32 s17, v17;
	v4 =	vsel vm12, v4, v35  }
0xae: {  	v38 =	vmov s7;
	vm13 =	vlt.s32 v36, s5;
	v37 =	vmax.f32 v4, v32  }
0xaf: {  	vm14 =	veq.s32 v38, v17;
	v4 =	vsel vm13, v4, v37  }
0xb0: {  	v39 =	vnsel vm14, $0xFF800000, v1;
	(xrf0) =	vmax.scan.msk.f32 $0xffff, v4  }
0xb1: {  	(xrf0) =	vmax.scan.msk.f32 $0xffff, v39;
	_ =	sdelay $0x4  }
0xb2: {  	v40, _, _ =	vpop (xrf0)  }
0xb3: {  	(v2sf) =	vpush v40, $0xF;
	v41, _, _ =	vpop (xrf0)  }
0xb4: {  	(v2sf) =	vpush v41, $0xF;
	_ =	sdelay $0xd  }
0xb5: {  	s18 =	spop (v2sf)  }
0xb6: {  	s19 =	spop (v2sf)  }
0xb7: {  	s20 =	smax.f32 s18, s19  }
0xb8: {  	vm15 =	vlt.s32 v38, v17;
	vm4 =	veq.f32 v0, s20  }
0xb9: {  	v42 =	vor.u32 $0x80000000, v17;
	vm0 =	vmand vm15, vm4  }
0xba: {  	v0 =	vnsel vm0, $0xFFFFFFFF, v42  }
0xbb: {  	(xrf0) =	vmin.scan.msk.u32 $0xffff, v0;
	_ =	sdelay $0x5  }
0xbc: {  	v0, _, _ =	vpop (xrf0)  }
0xbd: {  	(v2sf) =	vpush v0, $0xF;
	_ =	sdelay $0xd  }
0xbe: {  	p0 =	sge.f32 s18, s19  }
0xbf: {  	s8 =	spop (v2sf)  }
0xc0: {  	s8 =	smov.u32 @p0 s7  }
0xc1: {  	s7 =	sshll.u32 s8, $0x9  }
0xc2: {  	s21 =	sshra.s32 s7, $0x2  }
0xc3: {  	v43 =	vld [tilespmem:s21+$0x810];
	_ =	sdelay $0x1  }
0xc4: {  	s8 =	sshll.u32 s8, $0x7  }
0xc5: {  	s7 =	smov.u32 s8;
	s10 =	sor.u32 $0x10, s8;
	v44 =	vld [tilespmem:s21+$0x800]  }
0xc6: {  	s7 =	smov.u32 @p0 s5;
	v45 =	vor.u32 s10, v17  }
0xc7: {  	vm5 =	vge.s32 v45, s7;
	vm6 =	veq.f32 v43, s20  }
0xc8: {  	v46 =	vld [tilespmem:s21+$0x820];
	vm0 =	vmand vm6, vm5  }
0xc9: {  	v47 =	vor.u32 s8, v17;
	v4 =	vnsel vm0, $0x7FFFFFFF, v45  }
0xca: {  	vm7 =	vge.s32 v47, s7;
	vm8 =	veq.f32 v44, s20;
	vm9 =	vlt.s32 v47, v4  }
0xcb: {  	s22 =	sor.u32 $0x20, s8;
	v49 =	vld [tilespmem:s21+$0x830];
	vm0 =	vmand vm8, vm7;
	v48 =	vsel vm9, v47, v4  }
0xcc: {  	v50 =	vor.u32 s22, v17;
	v1 =	vsel vm0, v48, v4  }
0xcd: {  	vm10 =	vge.s32 v50, s7;
	vm11 =	veq.f32 v46, s20;
	vm12 =	vlt.s32 v1, v50  }
0xce: {  	s23 =	sor.u32 $0x30, s8;
	v52 =	vld [tilespmem:s21+$0x840];
	vm0 =	vmand vm11, vm10;
	v51 =	vsel vm12, v1, v50  }
0xcf: {  	v53 =	vor.u32 s23, v17;
	v0 =	vsel vm0, v51, v1  }
0xd0: {  	vm13 =	vge.s32 v53, s7;
	vm14 =	veq.f32 v49, s20;
	vm15 =	vlt.s32 v0, v53  }
0xd1: {  	s24 =	sor.u32 $0x40, s8;
	v54 =	vld [tilespmem:s21+$0x850];
	vm0 =	vmand vm14, vm13;
	v1 =	vsel vm15, v0, v53  }
0xd2: {  	v55 =	vor.u32 s24, v17;
	v0 =	vsel vm0, v1, v0  }
0xd3: {  	vm4 =	vge.s32 v55, s7;
	vm5 =	veq.f32 v52, s20;
	vm6 =	vlt.s32 v0, v55  }
0xd4: {  	s25 =	sor.u32 $0x50, s8;
	v56 =	vld [tilespmem:s21+$0x860];
	vm0 =	vmand vm5, vm4;
	v1 =	vsel vm6, v0, v55  }
0xd5: {  	v57 =	vor.u32 s25, v17;
	v0 =	vsel vm0, v1, v0  }
0xd6: {  	vm7 =	vge.s32 v57, s7;
	vm8 =	veq.f32 v54, s20;
	vm9 =	vlt.s32 v0, v57  }
0xd7: {  	s26 =	sor.u32 $0x60, s8;
	v58 =	vld [tilespmem:s21+$0x870];
	vm0 =	vmand vm8, vm7;
	v1 =	vsel vm9, v0, v57  }
0xd8: {  	v59 =	vor.u32 s26, v17;
	v0 =	vsel vm0, v1, v0  }
0xd9: {  	vm10 =	vge.s32 v59, s7;
	vm11 =	veq.f32 v56, s20;
	vm12 =	vlt.s32 v0, v59  }
0xda: {  	s8 =	sor.u32 $0x70, s8;
	vm0 =	vmand vm11, vm10;
	v1 =	vsel vm12, v0, v59  }
0xdb: {  	v3 =	vor.u32 s8, v17;
	v0 =	vsel vm0, v1, v0  }
0xdc: {  	vm13 =	vge.s32 v3, s7;
	vm14 =	veq.f32 v58, s20;
	vm15 =	vlt.s32 v0, v3  }
0xdd: {  	vm0 =	vmand vm14, vm13;
	v1 =	vsel vm15, v0, v3  }
0xde: {  	v0 =	vsel vm0, v1, v0  }
0xdf: {  	v0 =	vxor.u32 $0x80000000, v0  }
0xe0: {  	(xrf0) =	vmin.scan.msk.u32 $0xffff, v0;
	_ =	sdelay $0x5  }
0xe1: {  	v0, _, _ =	vpop (xrf0)  }
0xe2: {  	(v2sf) =	vpush v0, $0xF;
	_ =	sdelay $0xe  }
0xe3: {  	s28 =	spop (v2sf)  }
0xe4: {  	v60 =	vadd.f32 $0.0e+00, v13;
	s6 =	sxor.u32 $0x80000000, s28  }
0xe5: {  	s3 =	sshll.u32 s3, $0xA;
	v61 =	vmov s6  }
0xe6: {  	s3 =	sor.u32 s4, s3;
	v62 =	vmov s5;
	[tilespmem:$0x1080] =	vst v60;
	v63 =	vbroadcast v61, $0x0  }
0xe7: {  	s29 =	simm.s32 $0x0;
	s3 =	sshrl.u32 s3, $0x3;
	[tilespmem:$0x1090] =	vst v62  }
0xe8: {  	s30 =	simm.s32 $0x1080;
	s31 =	simm.s32 $0x3;
	s2 =	sadd.s32 s2, s3;
	[tilespmem:$0x10A0] =	vst v63  }
0xe9: {  	[hbm4b:s2+s29] =	stream.linear.scatter [tilespmem:s30], [sflag:$0x3], $0x80, $0x38;
	[tilespmem:$0x1100] =	vst v63  }
0xea: {  	_ =	swait.ge [sflag:s31], $0x80  }
0xeb: {  	[sflag:s31] =	ssyncset.done $0x0  }
0xec: {  	[sflag:s31] =	ssyncadd.s32 $0xFFFFFF80  }
0xed: {  	_ =	sfence.sel $0x180000  }
0xee: {  	[bflag:$0x0] =	sbarrier.arrive $0xFFFF  }
0xef: {  	p0 =	sne.s32 s1, $0x0;
	_ =	strace $0x90000047  }
0xf0: {  	s0 =	sadd.s32 @!p0 $0x100000, s0;
	[bflag:$0x2] =	sbarrier.arrive $0xFFFF  }
0xf1: {  	[sflag:s0] =	ssyncadd.tile.s32 @!p0 $0x1;
	_ =	shalt  }
.Lfunc_end2:
_tile_overlayer_lowered:
.L_overlay_start_2:
0xf2: {  	(tag) =	ssettag $0x2  }
0xf3: {  	s0 =	rddreg [dreg:$0x0];
	s2 =	stileid.u32  }
0xf4: {  	s1 =	rddreg [dreg:$0x1];
	p0 =	sne.s32 s2, $0x0  }
0xf5: {  	s3 =	rddreg [dreg:$0x2];
	[bflag:$0x3] =	sbarrier.arrive $0xFFFF;
	s2 =	simm.s32 @!p0 $0x1C03  }
0xf6: {  	[timem:s3], [sflag:s2] =	dma.local @!p0 [hbm:s0], s1  }
0xf7: {  	s0 =	simm.s32 @!p0 $0x3  }
0xf8: {  	_ =	swait.ge @!p0 [sflag:s0], s1  }
0xf9: {  	s1 =	ssub.s32 @!p0 $0x0, s1;
	[sflag:s0] =	ssyncset.done @!p0 $0x0  }
0xfa: {  	[sflag:s0] =	ssyncadd.s32 @!p0 s1  }
0xfb: {  	[bflag:$0x3] =	sbarrier.arrive $0xFFFF  }
0xfc: {  	_ =	shalt  }

</sc_bundles>
